<compile_context>
chip_gen: v7x
topology: tpu7x:2x2x1
jax: 0.10.2.dev20260603
libtpu: 0.0.44.dev20260713+nightly
codegen_flags: <defaults>
</compile_context>

<pallas_src>
import functools

import jax
import jax.numpy as jnp
from jax import lax
from jax.experimental import pallas as pl
from jax.experimental.pallas import tpu as pltpu
from jax.experimental.pallas import tpu_sc as plsc

MAXLEN = 8192
D_MODEL = 1024
NUM_CORES = 2
NUM_SUBCORES = 16
NUM_WORKERS = NUM_CORES * NUM_SUBCORES
ROWS_PER_WORKER = MAXLEN // NUM_WORKERS
CHUNK = 56
NBUF = 2
CHUNK_OFFS = [56 * i for i in range(ROWS_PER_WORKER // CHUNK)] + [224]
CHUNK_LENS = [56] * (ROWS_PER_WORKER // CHUNK) + [32]
NUM_CHUNKS = len(CHUNK_OFFS)

_MESH = plsc.VectorSubcoreMesh(core_axis_name="c", subcore_axis_name="s")


@functools.partial(
    pl.kernel,
    mesh=_MESH,
    out_type=jax.ShapeDtypeStruct((MAXLEN, D_MODEL), jnp.float32),
    scratch_types=[
        pltpu.VMEM((ROWS_PER_WORKER,), jnp.int32),
    ]
    + [pltpu.VMEM((CHUNK, D_MODEL), jnp.float32)] * NBUF
    + [pltpu.SemaphoreType.DMA] * (2 * NBUF),
)
def _emb_lookup(table_hbm, idx_hbm, out_hbm, idx_v, *bufs_and_sems):
    bufs = bufs_and_sems[:NBUF]
    gsems = bufs_and_sems[NBUF:2 * NBUF]
    ssems = bufs_and_sems[2 * NBUF:]

    wid = lax.axis_index("s") * NUM_CORES + lax.axis_index("c")
    base = wid * ROWS_PER_WORKER

    pltpu.sync_copy(idx_hbm.at[pl.ds(base, ROWS_PER_WORKER)], idx_v)

    gathers = [None] * NBUF
    scatters = [None] * NBUF

    def start_gather(c):
        b = c % NBUF
        off, n = CHUNK_OFFS[c], CHUNK_LENS[c]
        idx_chunk = idx_v.at[pl.ds(off, n)]
        dst = bufs[b] if n == CHUNK else bufs[b].at[pl.ds(0, n)]
        gathers[b] = pltpu.async_copy(table_hbm.at[idx_chunk], dst, gsems[b])

    for c in range(min(NBUF - 1, NUM_CHUNKS)):
        start_gather(c)
    for c in range(NUM_CHUNKS):
        b = c % NBUF
        nxt = c + NBUF - 1
        if nxt < NUM_CHUNKS:
            nb = nxt % NBUF
            if scatters[nb] is not None:
                scatters[nb].wait()
                scatters[nb] = None
            start_gather(nxt)
        gathers[b].wait()
        off, n = CHUNK_OFFS[c], CHUNK_LENS[c]
        src = bufs[b] if n == CHUNK else bufs[b].at[pl.ds(0, n)]
        out_slice = out_hbm.at[pl.ds(base + off, n)]
        scatters[b] = pltpu.async_copy(src, out_slice, ssems[b])
    for b in range(NBUF):
        if scatters[b] is not None:
            scatters[b].wait()


def kernel(emb_weight, pos):
    return _emb_lookup(emb_weight, pos.astype(jnp.int32))

# --- scband reference (transcript-rebuilt; emitter-appended) ---
"""Pipeline reference for scband-positional-embedding-tsp-12575664243136 (READ-ONLY COPY).

The authoritative reference and input builder live on the scoring server;
editing this copy changes nothing except your own understanding.
"""

import jax, jax.numpy as jnp
import numpy as np

MAXLEN = 8192
D_MODEL = 1024
INIT_GAIN = 0.01


def setup_inputs(seed: int = 0) -> dict:
    key = jax.random.key(seed)
    # xavier_uniform with gain: limit = gain * sqrt(6 / (fan_in + fan_out))
    limit = INIT_GAIN * np.sqrt(6.0 / (MAXLEN + D_MODEL))
    emb_weight = jax.random.uniform(
        key, (MAXLEN, D_MODEL), minval=-limit, maxval=limit, dtype=jnp.float32
    )
    pos = jnp.arange(MAXLEN, dtype=jnp.int32)
    return {"emb_weight": emb_weight, "pos": pos}


def reference(emb_weight, pos):
    # Faithful translation: res = self.emb(self.pos) -> table gather over arange(maxlen)
    return jnp.take(emb_weight, pos, axis=0)

if __name__ == "__main__":
    import jax
    _d = setup_inputs()
    print(jax.jit(kernel)(*tuple(_d.values())))

</pallas_src>

<mosaic_0001>
#map = affine_map<(d0, d1) -> (0, 0)>
#map1 = affine_map<(d0, d1) -> (0)>
module attributes {stable_mosaic.version = 14 : i64} {
  func.func @_emb_lookup(%arg0: i32, %arg1: i32, %arg2: memref<8192x1024xf32, #tpu.memory_space<hbm>>, %arg3: memref<8192xi32, #tpu.memory_space<hbm>>, %arg4: memref<8192x1024xf32, #tpu.memory_space<hbm>>, %arg5: memref<256xi32, #tpu.memory_space<vmem>>, %arg6: memref<56x1024xf32, #tpu.memory_space<vmem>>, %arg7: memref<56x1024xf32, #tpu.memory_space<vmem>>, %arg8: memref<!tpu.dma_semaphore, #tpu.memory_space<semaphore_mem>>, %arg9: memref<!tpu.dma_semaphore, #tpu.memory_space<semaphore_mem>>, %arg10: memref<!tpu.dma_semaphore, #tpu.memory_space<semaphore_mem>>, %arg11: memref<!tpu.dma_semaphore, #tpu.memory_space<semaphore_mem>>) attributes {dimension_semantics = [#tpu.dimension_semantics<core_parallel>, #tpu.dimension_semantics<subcore_parallel>], iteration_bounds = array<i64: 2, 16>, scalar_prefetch = 0 : i64, scratch_operands = 7 : i64, tpu.core_type = #tpu.core_type<sc_vector_subcore>, window_params = [{transform_indices = #map}, {transform_indices = #map1}, {transform_indices = #map}]} {
    %mul3A = arith.constant 2 : i32
    %mul3A_0 = arith.muli %arg1, %mul3A : i32
    %add3A = arith.addi %mul3A_0, %arg0 : i32
    %mul3A_1 = arith.constant 256 : i32
    %mul3A_2 = arith.muli %add3A, %mul3A_1 : i32
    "tpu.region"() ({
      %run_scoped3A = tpu.sem_alloc : memref<!tpu.dma_semaphore, #tpu.memory_space<semaphore_mem>>
      %dma_start3A_119 = tpu.memref_slice %arg3[%mul3A_2] : memref<8192xi32, #tpu.memory_space<hbm>> -> memref<256xi32, #tpu.memory_space<hbm>>
      %dma_start3A_120 = tpu.memref_slice %arg3[%mul3A_2] : memref<8192xi32, #tpu.memory_space<hbm>> -> memref<256xi32, #tpu.memory_space<hbm>>
      tpu.enqueue_dma source(%dma_start3A_120 : memref<256xi32, #tpu.memory_space<hbm>>) target(%arg5 : memref<256xi32, #tpu.memory_space<vmem>>) target_semaphore(%run_scoped3A : memref<!tpu.dma_semaphore, #tpu.memory_space<semaphore_mem>>)
      %dma_wait3A_121 = tpu.memref_slice %arg3[%mul3A_2] : memref<8192xi32, #tpu.memory_space<hbm>> -> memref<256xi32, #tpu.memory_space<hbm>>
      %dma_wait3A_122 = tpu.memref_slice %arg3[%mul3A_2] : memref<8192xi32, #tpu.memory_space<hbm>> -> memref<256xi32, #tpu.memory_space<hbm>>
      tpu.wait_dma2 semaphore(%run_scoped3A : memref<!tpu.dma_semaphore, #tpu.memory_space<semaphore_mem>>) src(%dma_wait3A_122 : memref<256xi32, #tpu.memory_space<hbm>>) dst(%arg5 : memref<256xi32, #tpu.memory_space<vmem>>)
      tpu.yield
    }) : () -> ()
    %dma_start3A = arith.constant 0 : i32
    %dma_start3A_3 = tpu.memref_slice %arg5[%dma_start3A] : memref<256xi32, #tpu.memory_space<vmem>> -> memref<56xi32, #tpu.memory_space<vmem>>
    %dma_start3A_4 = arith.constant 0 : i32
    %dma_start3A_5 = arith.constant 0 : i32
    %dma_start3A_6 = tpu.memref_slice %arg2[%dma_start3A_4, %dma_start3A_5] : memref<8192x1024xf32, #tpu.memory_space<hbm>> -> memref<8192x1024xf32, #tpu.memory_space<hbm>>
    tpu.enqueue_indirect_dma source(%dma_start3A_6 : memref<8192x1024xf32, #tpu.memory_space<hbm>>) target(%arg6 : memref<56x1024xf32, #tpu.memory_space<vmem>>) offsets(%dma_start3A_3 : memref<56xi32, #tpu.memory_space<vmem>>) semaphore(%arg8 : memref<!tpu.dma_semaphore, #tpu.memory_space<semaphore_mem>>)
    %dma_start3A_7 = arith.constant 56 : i32
    %dma_start3A_8 = tpu.memref_slice %arg5[%dma_start3A_7] : memref<256xi32, #tpu.memory_space<vmem>> -> memref<56xi32, #tpu.memory_space<vmem>>
    %dma_start3A_9 = arith.constant 0 : i32
    %dma_start3A_10 = arith.constant 0 : i32
    %dma_start3A_11 = tpu.memref_slice %arg2[%dma_start3A_9, %dma_start3A_10] : memref<8192x1024xf32, #tpu.memory_space<hbm>> -> memref<8192x1024xf32, #tpu.memory_space<hbm>>
    tpu.enqueue_indirect_dma source(%dma_start3A_11 : memref<8192x1024xf32, #tpu.memory_space<hbm>>) target(%arg7 : memref<56x1024xf32, #tpu.memory_space<vmem>>) offsets(%dma_start3A_8 : memref<56xi32, #tpu.memory_space<vmem>>) semaphore(%arg9 : memref<!tpu.dma_semaphore, #tpu.memory_space<semaphore_mem>>)
    %dma_wait3A = arith.constant 0 : i32
    %dma_wait3A_12 = tpu.memref_slice %arg5[%dma_wait3A] : memref<256xi32, #tpu.memory_space<vmem>> -> memref<56xi32, #tpu.memory_space<vmem>>
    %dma_wait3A_13 = arith.constant 0 : i32
    %dma_wait3A_14 = arith.constant 0 : i32
    %dma_wait3A_15 = tpu.memref_slice %arg2[%dma_wait3A_13, %dma_wait3A_14] : memref<8192x1024xf32, #tpu.memory_space<hbm>> -> memref<8192x1024xf32, #tpu.memory_space<hbm>>
    tpu.wait_indirect_dma semaphore(%arg8 : memref<!tpu.dma_semaphore, #tpu.memory_space<semaphore_mem>>) src(%dma_wait3A_15 : memref<8192x1024xf32, #tpu.memory_space<hbm>>) dst(%arg6 : memref<56x1024xf32, #tpu.memory_space<vmem>>)
    %add3A_16 = arith.constant 0 : i32
    %add3A_17 = arith.addi %mul3A_2, %add3A_16 : i32
    %dma_start3A_18 = arith.constant 0 : i32
    %dma_start3A_19 = tpu.memref_slice %arg4[%add3A_17, %dma_start3A_18] : memref<8192x1024xf32, #tpu.memory_space<hbm>> -> memref<56x1024xf32, #tpu.memory_space<hbm>>
    %dma_start3A_20 = arith.constant 0 : i32
    %dma_start3A_21 = tpu.memref_slice %arg4[%add3A_17, %dma_start3A_20] : memref<8192x1024xf32, #tpu.memory_space<hbm>> -> memref<56x1024xf32, #tpu.memory_space<hbm>>
    tpu.enqueue_dma source(%arg6 : memref<56x1024xf32, #tpu.memory_space<vmem>>) target(%dma_start3A_21 : memref<56x1024xf32, #tpu.memory_space<hbm>>) target_semaphore(%arg10 : memref<!tpu.dma_semaphore, #tpu.memory_space<semaphore_mem>>)
    %dma_wait3A_22 = arith.constant 0 : i32
    %dma_wait3A_23 = tpu.memref_slice %arg4[%add3A_17, %dma_wait3A_22] : memref<8192x1024xf32, #tpu.memory_space<hbm>> -> memref<56x1024xf32, #tpu.memory_space<hbm>>
    %dma_wait3A_24 = arith.constant 0 : i32
    %dma_wait3A_25 = tpu.memref_slice %arg4[%add3A_17, %dma_wait3A_24] : memref<8192x1024xf32, #tpu.memory_space<hbm>> -> memref<56x1024xf32, #tpu.memory_space<hbm>>
    tpu.wait_dma2 semaphore(%arg10 : memref<!tpu.dma_semaphore, #tpu.memory_space<semaphore_mem>>) src(%arg6 : memref<56x1024xf32, #tpu.memory_space<vmem>>) dst(%dma_wait3A_25 : memref<56x1024xf32, #tpu.memory_space<hbm>>)
    %dma_start3A_26 = arith.constant 112 : i32
    %dma_start3A_27 = tpu.memref_slice %arg5[%dma_start3A_26] : memref<256xi32, #tpu.memory_space<vmem>> -> memref<56xi32, #tpu.memory_space<vmem>>
    %dma_start3A_28 = arith.constant 0 : i32
    %dma_start3A_29 = arith.constant 0 : i32
    %dma_start3A_30 = tpu.memref_slice %arg2[%dma_start3A_28, %dma_start3A_29] : memref<8192x1024xf32, #tpu.memory_space<hbm>> -> memref<8192x1024xf32, #tpu.memory_space<hbm>>
    tpu.enqueue_indirect_dma source(%dma_start3A_30 : memref<8192x1024xf32, #tpu.memory_space<hbm>>) target(%arg6 : memref<56x1024xf32, #tpu.memory_space<vmem>>) offsets(%dma_start3A_27 : memref<56xi32, #tpu.memory_space<vmem>>) semaphore(%arg8 : memref<!tpu.dma_semaphore, #tpu.memory_space<semaphore_mem>>)
    %dma_wait3A_31 = arith.constant 56 : i32
    %dma_wait3A_32 = tpu.memref_slice %arg5[%dma_wait3A_31] : memref<256xi32, #tpu.memory_space<vmem>> -> memref<56xi32, #tpu.memory_space<vmem>>
    %dma_wait3A_33 = arith.constant 0 : i32
    %dma_wait3A_34 = arith.constant 0 : i32
    %dma_wait3A_35 = tpu.memref_slice %arg2[%dma_wait3A_33, %dma_wait3A_34] : memref<8192x1024xf32, #tpu.memory_space<hbm>> -> memref<8192x1024xf32, #tpu.memory_space<hbm>>
    tpu.wait_indirect_dma semaphore(%arg9 : memref<!tpu.dma_semaphore, #tpu.memory_space<semaphore_mem>>) src(%dma_wait3A_35 : memref<8192x1024xf32, #tpu.memory_space<hbm>>) dst(%arg7 : memref<56x1024xf32, #tpu.memory_space<vmem>>)
    %add3A_36 = arith.constant 56 : i32
    %add3A_37 = arith.addi %mul3A_2, %add3A_36 : i32
    %dma_start3A_38 = arith.constant 0 : i32
    %dma_start3A_39 = tpu.memref_slice %arg4[%add3A_37, %dma_start3A_38] : memref<8192x1024xf32, #tpu.memory_space<hbm>> -> memref<56x1024xf32, #tpu.memory_space<hbm>>
    %dma_start3A_40 = arith.constant 0 : i32
    %dma_start3A_41 = tpu.memref_slice %arg4[%add3A_37, %dma_start3A_40] : memref<8192x1024xf32, #tpu.memory_space<hbm>> -> memref<56x1024xf32, #tpu.memory_space<hbm>>
    tpu.enqueue_dma source(%arg7 : memref<56x1024xf32, #tpu.memory_space<vmem>>) target(%dma_start3A_41 : memref<56x1024xf32, #tpu.memory_space<hbm>>) target_semaphore(%arg11 : memref<!tpu.dma_semaphore, #tpu.memory_space<semaphore_mem>>)
    %dma_wait3A_42 = arith.constant 0 : i32
    %dma_wait3A_43 = tpu.memref_slice %arg4[%add3A_37, %dma_wait3A_42] : memref<8192x1024xf32, #tpu.memory_space<hbm>> -> memref<56x1024xf32, #tpu.memory_space<hbm>>
    %dma_wait3A_44 = arith.constant 0 : i32
    %dma_wait3A_45 = tpu.memref_slice %arg4[%add3A_37, %dma_wait3A_44] : memref<8192x1024xf32, #tpu.memory_space<hbm>> -> memref<56x1024xf32, #tpu.memory_space<hbm>>
    tpu.wait_dma2 semaphore(%arg11 : memref<!tpu.dma_semaphore, #tpu.memory_space<semaphore_mem>>) src(%arg7 : memref<56x1024xf32, #tpu.memory_space<vmem>>) dst(%dma_wait3A_45 : memref<56x1024xf32, #tpu.memory_space<hbm>>)
    %dma_start3A_46 = arith.constant 168 : i32
    %dma_start3A_47 = tpu.memref_slice %arg5[%dma_start3A_46] : memref<256xi32, #tpu.memory_space<vmem>> -> memref<56xi32, #tpu.memory_space<vmem>>
    %dma_start3A_48 = arith.constant 0 : i32
    %dma_start3A_49 = arith.constant 0 : i32
    %dma_start3A_50 = tpu.memref_slice %arg2[%dma_start3A_48, %dma_start3A_49] : memref<8192x1024xf32, #tpu.memory_space<hbm>> -> memref<8192x1024xf32, #tpu.memory_space<hbm>>
    tpu.enqueue_indirect_dma source(%dma_start3A_50 : memref<8192x1024xf32, #tpu.memory_space<hbm>>) target(%arg7 : memref<56x1024xf32, #tpu.memory_space<vmem>>) offsets(%dma_start3A_47 : memref<56xi32, #tpu.memory_space<vmem>>) semaphore(%arg9 : memref<!tpu.dma_semaphore, #tpu.memory_space<semaphore_mem>>)
    %dma_wait3A_51 = arith.constant 112 : i32
    %dma_wait3A_52 = tpu.memref_slice %arg5[%dma_wait3A_51] : memref<256xi32, #tpu.memory_space<vmem>> -> memref<56xi32, #tpu.memory_space<vmem>>
    %dma_wait3A_53 = arith.constant 0 : i32
    %dma_wait3A_54 = arith.constant 0 : i32
    %dma_wait3A_55 = tpu.memref_slice %arg2[%dma_wait3A_53, %dma_wait3A_54] : memref<8192x1024xf32, #tpu.memory_space<hbm>> -> memref<8192x1024xf32, #tpu.memory_space<hbm>>
    tpu.wait_indirect_dma semaphore(%arg8 : memref<!tpu.dma_semaphore, #tpu.memory_space<semaphore_mem>>) src(%dma_wait3A_55 : memref<8192x1024xf32, #tpu.memory_space<hbm>>) dst(%arg6 : memref<56x1024xf32, #tpu.memory_space<vmem>>)
    %add3A_56 = arith.constant 112 : i32
    %add3A_57 = arith.addi %mul3A_2, %add3A_56 : i32
    %dma_start3A_58 = arith.constant 0 : i32
    %dma_start3A_59 = tpu.memref_slice %arg4[%add3A_57, %dma_start3A_58] : memref<8192x1024xf32, #tpu.memory_space<hbm>> -> memref<56x1024xf32, #tpu.memory_space<hbm>>
    %dma_start3A_60 = arith.constant 0 : i32
    %dma_start3A_61 = tpu.memref_slice %arg4[%add3A_57, %dma_start3A_60] : memref<8192x1024xf32, #tpu.memory_space<hbm>> -> memref<56x1024xf32, #tpu.memory_space<hbm>>
    tpu.enqueue_dma source(%arg6 : memref<56x1024xf32, #tpu.memory_space<vmem>>) target(%dma_start3A_61 : memref<56x1024xf32, #tpu.memory_space<hbm>>) target_semaphore(%arg10 : memref<!tpu.dma_semaphore, #tpu.memory_space<semaphore_mem>>)
    %dma_wait3A_62 = arith.constant 0 : i32
    %dma_wait3A_63 = tpu.memref_slice %arg4[%add3A_57, %dma_wait3A_62] : memref<8192x1024xf32, #tpu.memory_space<hbm>> -> memref<56x1024xf32, #tpu.memory_space<hbm>>
    %dma_wait3A_64 = arith.constant 0 : i32
    %dma_wait3A_65 = tpu.memref_slice %arg4[%add3A_57, %dma_wait3A_64] : memref<8192x1024xf32, #tpu.memory_space<hbm>> -> memref<56x1024xf32, #tpu.memory_space<hbm>>
    tpu.wait_dma2 semaphore(%arg10 : memref<!tpu.dma_semaphore, #tpu.memory_space<semaphore_mem>>) src(%arg6 : memref<56x1024xf32, #tpu.memory_space<vmem>>) dst(%dma_wait3A_65 : memref<56x1024xf32, #tpu.memory_space<hbm>>)
    %dma_start3A_66 = arith.constant 0 : i32
    %dma_start3A_67 = arith.constant 0 : i32
    %dma_start3A_68 = tpu.memref_slice %arg6[%dma_start3A_66, %dma_start3A_67] : memref<56x1024xf32, #tpu.memory_space<vmem>> -> memref<32x1024xf32, #tpu.memory_space<vmem>>
    %dma_start3A_69 = arith.constant 224 : i32
    %dma_start3A_70 = tpu.memref_slice %arg5[%dma_start3A_69] : memref<256xi32, #tpu.memory_space<vmem>> -> memref<32xi32, #tpu.memory_space<vmem>>
    %dma_start3A_71 = arith.constant 0 : i32
    %dma_start3A_72 = arith.constant 0 : i32
    %dma_start3A_73 = tpu.memref_slice %arg2[%dma_start3A_71, %dma_start3A_72] : memref<8192x1024xf32, #tpu.memory_space<hbm>> -> memref<8192x1024xf32, #tpu.memory_space<hbm>>
    tpu.enqueue_indirect_dma source(%dma_start3A_73 : memref<8192x1024xf32, #tpu.memory_space<hbm>>) target(%dma_start3A_68 : memref<32x1024xf32, #tpu.memory_space<vmem>>) offsets(%dma_start3A_70 : memref<32xi32, #tpu.memory_space<vmem>>) semaphore(%arg8 : memref<!tpu.dma_semaphore, #tpu.memory_space<semaphore_mem>>)
    %dma_wait3A_74 = arith.constant 168 : i32
    %dma_wait3A_75 = tpu.memref_slice %arg5[%dma_wait3A_74] : memref<256xi32, #tpu.memory_space<vmem>> -> memref<56xi32, #tpu.memory_space<vmem>>
    %dma_wait3A_76 = arith.constant 0 : i32
    %dma_wait3A_77 = arith.constant 0 : i32
    %dma_wait3A_78 = tpu.memref_slice %arg2[%dma_wait3A_76, %dma_wait3A_77] : memref<8192x1024xf32, #tpu.memory_space<hbm>> -> memref<8192x1024xf32, #tpu.memory_space<hbm>>
    tpu.wait_indirect_dma semaphore(%arg9 : memref<!tpu.dma_semaphore, #tpu.memory_space<semaphore_mem>>) src(%dma_wait3A_78 : memref<8192x1024xf32, #tpu.memory_space<hbm>>) dst(%arg7 : memref<56x1024xf32, #tpu.memory_space<vmem>>)
    %add3A_79 = arith.constant 168 : i32
    %add3A_80 = arith.addi %mul3A_2, %add3A_79 : i32
    %dma_start3A_81 = arith.constant 0 : i32
    %dma_start3A_82 = tpu.memref_slice %arg4[%add3A_80, %dma_start3A_81] : memref<8192x1024xf32, #tpu.memory_space<hbm>> -> memref<56x1024xf32, #tpu.memory_space<hbm>>
    %dma_start3A_83 = arith.constant 0 : i32
    %dma_start3A_84 = tpu.memref_slice %arg4[%add3A_80, %dma_start3A_83] : memref<8192x1024xf32, #tpu.memory_space<hbm>> -> memref<56x1024xf32, #tpu.memory_space<hbm>>
    tpu.enqueue_dma source(%arg7 : memref<56x1024xf32, #tpu.memory_space<vmem>>) target(%dma_start3A_84 : memref<56x1024xf32, #tpu.memory_space<hbm>>) target_semaphore(%arg11 : memref<!tpu.dma_semaphore, #tpu.memory_space<semaphore_mem>>)
    %dma_wait3A_85 = arith.constant 0 : i32
    %dma_wait3A_86 = arith.constant 0 : i32
    %dma_wait3A_87 = tpu.memref_slice %arg6[%dma_wait3A_85, %dma_wait3A_86] : memref<56x1024xf32, #tpu.memory_space<vmem>> -> memref<32x1024xf32, #tpu.memory_space<vmem>>
    %dma_wait3A_88 = arith.constant 224 : i32
    %dma_wait3A_89 = tpu.memref_slice %arg5[%dma_wait3A_88] : memref<256xi32, #tpu.memory_space<vmem>> -> memref<32xi32, #tpu.memory_space<vmem>>
    %dma_wait3A_90 = arith.constant 0 : i32
    %dma_wait3A_91 = arith.constant 0 : i32
    %dma_wait3A_92 = tpu.memref_slice %arg2[%dma_wait3A_90, %dma_wait3A_91] : memref<8192x1024xf32, #tpu.memory_space<hbm>> -> memref<8192x1024xf32, #tpu.memory_space<hbm>>
    tpu.wait_indirect_dma semaphore(%arg8 : memref<!tpu.dma_semaphore, #tpu.memory_space<semaphore_mem>>) src(%dma_wait3A_92 : memref<8192x1024xf32, #tpu.memory_space<hbm>>) dst(%dma_wait3A_87 : memref<32x1024xf32, #tpu.memory_space<vmem>>)
    %add3A_93 = arith.constant 224 : i32
    %add3A_94 = arith.addi %mul3A_2, %add3A_93 : i32
    %dma_start3A_95 = arith.constant 0 : i32
    %dma_start3A_96 = arith.constant 0 : i32
    %dma_start3A_97 = tpu.memref_slice %arg6[%dma_start3A_95, %dma_start3A_96] : memref<56x1024xf32, #tpu.memory_space<vmem>> -> memref<32x1024xf32, #tpu.memory_space<vmem>>
    %dma_start3A_98 = arith.constant 0 : i32
    %dma_start3A_99 = tpu.memref_slice %arg4[%add3A_94, %dma_start3A_98] : memref<8192x1024xf32, #tpu.memory_space<hbm>> -> memref<32x1024xf32, #tpu.memory_space<hbm>>
    %dma_start3A_100 = arith.constant 0 : i32
    %dma_start3A_101 = tpu.memref_slice %arg4[%add3A_94, %dma_start3A_100] : memref<8192x1024xf32, #tpu.memory_space<hbm>> -> memref<32x1024xf32, #tpu.memory_space<hbm>>
    %dma_start3A_102 = arith.constant 0 : i32
    %dma_start3A_103 = arith.constant 0 : i32
    %dma_start3A_104 = tpu.memref_slice %arg6[%dma_start3A_102, %dma_start3A_103] : memref<56x1024xf32, #tpu.memory_space<vmem>> -> memref<32x1024xf32, #tpu.memory_space<vmem>>
    tpu.enqueue_dma source(%dma_start3A_104 : memref<32x1024xf32, #tpu.memory_space<vmem>>) target(%dma_start3A_101 : memref<32x1024xf32, #tpu.memory_space<hbm>>) target_semaphore(%arg10 : memref<!tpu.dma_semaphore, #tpu.memory_space<semaphore_mem>>)
    %dma_wait3A_105 = arith.constant 0 : i32
    %dma_wait3A_106 = arith.constant 0 : i32
    %dma_wait3A_107 = tpu.memref_slice %arg6[%dma_wait3A_105, %dma_wait3A_106] : memref<56x1024xf32, #tpu.memory_space<vmem>> -> memref<32x1024xf32, #tpu.memory_space<vmem>>
    %dma_wait3A_108 = arith.constant 0 : i32
    %dma_wait3A_109 = tpu.memref_slice %arg4[%add3A_94, %dma_wait3A_108] : memref<8192x1024xf32, #tpu.memory_space<hbm>> -> memref<32x1024xf32, #tpu.memory_space<hbm>>
    %dma_wait3A_110 = arith.constant 0 : i32
    %dma_wait3A_111 = tpu.memref_slice %arg4[%add3A_94, %dma_wait3A_110] : memref<8192x1024xf32, #tpu.memory_space<hbm>> -> memref<32x1024xf32, #tpu.memory_space<hbm>>
    %dma_wait3A_112 = arith.constant 0 : i32
    %dma_wait3A_113 = arith.constant 0 : i32
    %dma_wait3A_114 = tpu.memref_slice %arg6[%dma_wait3A_112, %dma_wait3A_113] : memref<56x1024xf32, #tpu.memory_space<vmem>> -> memref<32x1024xf32, #tpu.memory_space<vmem>>
    tpu.wait_dma2 semaphore(%arg10 : memref<!tpu.dma_semaphore, #tpu.memory_space<semaphore_mem>>) src(%dma_wait3A_114 : memref<32x1024xf32, #tpu.memory_space<vmem>>) dst(%dma_wait3A_111 : memref<32x1024xf32, #tpu.memory_space<hbm>>)
    %dma_wait3A_115 = arith.constant 0 : i32
    %dma_wait3A_116 = tpu.memref_slice %arg4[%add3A_80, %dma_wait3A_115] : memref<8192x1024xf32, #tpu.memory_space<hbm>> -> memref<56x1024xf32, #tpu.memory_space<hbm>>
    %dma_wait3A_117 = arith.constant 0 : i32
    %dma_wait3A_118 = tpu.memref_slice %arg4[%add3A_80, %dma_wait3A_117] : memref<8192x1024xf32, #tpu.memory_space<hbm>> -> memref<56x1024xf32, #tpu.memory_space<hbm>>
    tpu.wait_dma2 semaphore(%arg11 : memref<!tpu.dma_semaphore, #tpu.memory_space<semaphore_mem>>) src(%arg7 : memref<56x1024xf32, #tpu.memory_space<vmem>>) dst(%dma_wait3A_118 : memref<56x1024xf32, #tpu.memory_space<hbm>>)
    return
  }
}

</mosaic_0001>

<sc_bundles>
// kernel: kernel.3.cloned.1.call-start
scs
__scs_entry_jumppad:
0x0: {  	(pc) =	sbr.rel $0x88, $3  }
0x1: {  	(tag) =	ssettag $0x0;
	lr =	simm.s32 $0x1  }
0x2: {  	[smem:$0x3F9F] =	sst lr;
	_ =	strace $0xD0000000  }
0x3: {  	_ = 	snop  }
0x4: {  	_ = 	snop  }
0x5: {  	_ = 	snop  }
0x6: {  	_ = 	snop  }
0x7: {  	_ = 	snop  }
__scs_overlays_trampoline_lowered:
0x8: {  	[smem:$0x3FAE] =	sst s0  }
0x9: {  	[smem:$0x3FAF] =	sst s1  }
0xa: {  	[smem:$0x3FB0] =	sst s2  }
0xb: {  	[smem:$0x3FB1] =	sst s3  }
0xc: {  	[smem:$0x3FB2] =	sst s4  }
0xd: {  	[smem:$0x3FB3] =	sst s5  }
0xe: {  	[smem:$0x3FB4] =	sst s6  }
0xf: {  	[smem:$0x3FB5] =	sst s7  }
0x10: {  	[smem:$0x3FB6] =	sst s8  }
0x11: {  	[smem:$0x3FB7] =	sst s9;
	s0 =	simm.s32 @!p0 $0x0  }
0x12: {  	s1 =	sld [smem:$0x3F9D];
	s0 =	simm.s32 @p0 $0x1  }
0x13: {  	[smem:$0x3FB8] =	sst s0;
	s0 =	simm.s32 @!p1 $0x0  }
0x14: {  	s2 =	sld [smem:$0x3F9C];
	s0 =	simm.s32 @p1 $0x1  }
0x15: {  	[smem:$0x3FB9] =	sst s0;
	s0 =	simm.s32 @!p2 $0x0  }
0x16: {  	s3 =	sld [smem:$0x3FDB];
	s0 =	simm.s32 @p2 $0x1  }
0x17: {  	s4 =	simm.s32 $0x1BF5;
	[smem:$0x3FBB] =	sst s0  }
0x18: {  	s0 =	sld [smem:$0x3F9E];
	_ =	swait.ge [sflag:s4], $0x0  }
0x19: {  	s7 =	sld [smem:$0x3F9F]  }
0x1a: {  	s8 =	sadd.s32 $0xFFFFE003, lr  }
0x1b: {  	s9 =	sadd.s32 $0xFFFFFEF7, lr;
	s5 =	simm.s32 $0xFFFFFFFF;
	p2 =	slt.u32 s8, $0xFFFFF086  }
0x1c: {  	p1 =	slt.u32 s9, $0xF7A;
	s5 =	simm.s32 @!p2 $0x0  }
0x1d: {  	s5 =	simm.s32 @p1 $0x1;
	p0 =	seq.s32 s7, s2  }
0x1e: {  	s7 =	smul.u32 @!p0 $0xF7A, s2;
	p2 =	seq.s32 @!p0 s5, $0x0  }
0x1f: {  	s9 =	smul.u32 $0xF7A, s1;
	s8 =	simm.s32 @!p0 $0x1BF5;
	p2 =	por !p2, p0  }
0x20: {  	[sflag:s8] =	ssyncset.s32 @!p0 $0xFFFFF086;
	s6 =	sadd.s32 @!p0 s3, s7;
	s7 =	simm.s32 @!p0 $0x108  }
0x21: {  	s3 =	sadd.s32 s3, s9;
	s6 =	sadd.s32 @!p0 $0x88, s6;
	s7 =	simm.s32 @p2 $0x1082  }
0x22: {  	[simem:s7], [sflag:s8] =	dma.local @!p0 [hbm:s6], $0xF7A  }
0x23: {  	s9 =	sor.u32 $0xD0000000, s2;
	s6 =	simm.s32 $0x108;
	_ =	swait.ge @!p0 [sflag:s8], $0x0  }
0x24: {  	s3 =	sadd.s32 $0x88, s3;
	s6 =	simm.s32 @!p1 $0x1082;
	[sflag:s4] =	ssyncset.s32 $0xFFFFF086  }
0x25: {  	[simem:s6], [sflag:s4] =	dma.local [hbm:s3], $0xF7A  }
0x26: {  	[smem:$0x3F9F] =	sst s1;
	(tag) =	ssettag s2;
	_ =	strace s9  }
0x27: {  	s1 =	sld [smem:$0x3FAF]  }
0x28: {  	s2 =	sld [smem:$0x3FB0]  }
0x29: {  	s4 =	sld [smem:$0x3FB2]  }
0x2a: {  	p0 =	seq.s32 s5, $0x0;
	s5 =	sld [smem:$0x3FB3]  }
0x2b: {  	s6 =	sld [smem:$0x3FB4]  }
0x2c: {  	s7 =	sld [smem:$0x3FB5]  }
0x2d: {  	s3 =	simm.s32 $0x108;
	s8 =	sld [smem:$0x3FB6]  }
0x2e: {  	s3 =	simm.s32 @!p0 $0x1082;
	s9 =	sld [smem:$0x3FB7]  }
0x2f: {  	lr =	sadd.s32 s0, s3;
	s0 =	sld [smem:$0x3FAE]  }
0x30: {  	s3 =	sld [smem:$0x3FB1]  }
0x31: {  	[smem:$0x3FBA] =	sst s10  }
0x32: {  	s10 =	sld [smem:$0x3FB8];
	_ =	sdelay $0x3  }
0x33: {  	p0 =	seq.s32 s10, $0x1;
	s10 =	sld [smem:$0x3FBA];
	_ =	sdelay $0x3  }
0x34: {  	[smem:$0x3FBA] =	sst s10  }
0x35: {  	s10 =	sld [smem:$0x3FB9];
	_ =	sdelay $0x3  }
0x36: {  	p1 =	seq.s32 s10, $0x1;
	s10 =	sld [smem:$0x3FBA];
	_ =	sdelay $0x3  }
0x37: {  	[smem:$0x3FBA] =	sst s10  }
0x38: {  	s10 =	sld [smem:$0x3FBB]  }
0x39: {  	_ = 	snop;
	(pc) =	sbr.ind lr, $3  }
0x3a: {  	_ = 	snop  }
0x3b: {  	_ = 	snop  }
0x3c: {  	p2 =	seq.s32 s10, $0x1;
	s10 =	sld [smem:$0x3FBA]  }
0x3d: {  	_ =	shalt  }
0x3e: {  	_ =	shalt  }
0x3f: {  	_ =	shalt  }
0x40: {  	_ =	shalt  }
0x41: {  	_ =	shalt  }
0x42: {  	_ =	shalt  }
0x43: {  	_ =	shalt  }
0x44: {  	_ =	shalt  }
0x45: {  	_ =	shalt  }
0x46: {  	_ =	shalt  }
0x47: {  	_ =	shalt  }
0x48: {  	_ =	shalt  }
0x49: {  	_ =	shalt  }
0x4a: {  	_ =	shalt  }
0x4b: {  	_ =	shalt  }
0x4c: {  	_ =	shalt  }
0x4d: {  	_ =	shalt  }
0x4e: {  	_ =	shalt  }
0x4f: {  	_ =	shalt  }
0x50: {  	_ =	shalt  }
0x51: {  	_ =	shalt  }
0x52: {  	_ =	shalt  }
0x53: {  	_ =	shalt  }
0x54: {  	_ =	shalt  }
0x55: {  	_ =	shalt  }
0x56: {  	_ =	shalt  }
0x57: {  	_ =	shalt  }
0x58: {  	_ =	shalt  }
0x59: {  	_ =	shalt  }
0x5a: {  	_ =	shalt  }
0x5b: {  	_ =	shalt  }
0x5c: {  	_ =	shalt  }
0x5d: {  	_ =	shalt  }
0x5e: {  	_ =	shalt  }
0x5f: {  	_ =	shalt  }
0x60: {  	_ =	shalt  }
0x61: {  	_ =	shalt  }
0x62: {  	_ =	shalt  }
0x63: {  	_ =	shalt  }
0x64: {  	_ =	shalt  }
0x65: {  	_ =	shalt  }
0x66: {  	_ =	shalt  }
0x67: {  	_ =	shalt  }
0x68: {  	_ =	shalt  }
0x69: {  	_ =	shalt  }
0x6a: {  	_ =	shalt  }
0x6b: {  	_ =	shalt  }
0x6c: {  	_ =	shalt  }
0x6d: {  	_ =	shalt  }
0x6e: {  	_ =	shalt  }
0x6f: {  	_ =	shalt  }
0x70: {  	_ =	shalt  }
0x71: {  	_ =	shalt  }
0x72: {  	_ =	shalt  }
0x73: {  	_ =	shalt  }
0x74: {  	_ =	shalt  }
0x75: {  	_ =	shalt  }
0x76: {  	_ =	shalt  }
0x77: {  	_ =	shalt  }
0x78: {  	_ =	shalt  }
0x79: {  	_ =	shalt  }
0x7a: {  	_ =	shalt  }
0x7b: {  	_ =	shalt  }
0x7c: {  	_ =	shalt  }
0x7d: {  	_ =	shalt  }
0x7e: {  	_ =	shalt  }
0x7f: {  	_ =	shalt  }
0x80: {  	_ =	shalt  }
0x81: {  	_ =	shalt  }
0x82: {  	_ =	shalt  }
0x83: {  	_ =	shalt  }
0x84: {  	_ =	shalt  }
0x85: {  	_ =	shalt  }
0x86: {  	_ =	shalt  }
0x87: {  	_ =	shalt  }
.Lfunc_end0:
.L_simem_size_0:
called_computation_lowered:
.L_overlay_start_0:
0x88: {  	s2 =	sld [smem:$0x3FD9]  }
0x89: {  	s3 =	sld [smem:$0x3FFE];
	_ =	sdelay $0x1  }
0x8a: {  	s1 =	srdreg.scid  }
0x8b: {  	s0 =	sand.u32 $0x1, s1  }
0x8c: {  	s18 =	sshll.u32 s0, $0xA;
	s2 =	sadd.s32 s3, s2  }
0x8d: {  	s2 =	sadd.s32 s2, s18  }
0x8e: {  	[smem:$0x3FC6] =	sst s2  }
0x8f: {  	_ = 	snop  }
0x90: {  	s2 =	sld [smem:$0x3FC9]  }
0x91: {  	s19 =	sld [smem:$0x3FC8]  }
0x92: {  	s4 =	sld [smem:$0x3FD0];
	(tm) =	ssettm $0x1  }
0x93: {  	s5 =	sld [smem:$0x3FFB];
	_ =	sdelay $0x3  }
0x94: {  	_ =	strace s5  }
0x95: {  	s5 =	sld [smem:$0x3FFC];
	_ =	sdelay $0x3  }
0x96: {  	_ =	strace s5  }
0x97: {  	s5 =	sld [smem:$0x3FFD];
	_ =	sdelay $0x3  }
0x98: {  	_ =	strace s5  }
0x99: {  	_ =	strace $0x8FFFFFFF  }
0x9a: {  	s20 =	sld [smem:$0x3FDB];
	_ =	sdelay $0x1  }
0x9b: {  	s6 =	simm.s32 $_scs_section_size  }
0x9c: {  	s7 =	simm.s32 $_size__tile_overlayer_lowered;
	s8 =	simm.s32 $_tile_overlayer_lowered  }
0x9d: {  	s23 =	simm.s32 $0x1BFF;
	s22 =	sshll.u32 s8, $0x1;
	s5 =	sadd.s32 s6, s20  }
0x9e: {  	s9 =	simm.s32 $0x0;
	s21 =	sshll.u32 s7, $0x1;
	s7 =	sadd.s32 s22, s5  }
0x9f: {  	[timem:s9], [sflag:s23] =	dma.local [hbm:s7], s21  }
0xa0: {  	_ =	swait.ge [sflag:s23], s21  }
0xa1: {  	s6 =	ssub.s32 $0x0, s21;
	[sflag:s23] =	ssyncset.done $0x0  }
0xa2: {  	[sflag:s23] =	ssyncadd.s32 s6;
	_ =	sdelay $0x1  }
0xa3: {  	s24 =	simm.s32 $0x1B8B  }
0xa4: {  	_ =	swait.ge [sflag:s24], $0x1  }
0xa5: {  	[sflag:s24] =	ssyncset.done $0x0  }
0xa6: {  	s25 =	simm.s32 $0x1B8E;
	[sflag:s24] =	ssyncadd.s32 $0xFFFFFFFF  }
0xa7: {  	s26 =	simm.s32 $execute0_lowered;
	[smem:$0x3FD2] =	sst s25  }
0xa8: {  	s6 =	sshll.u32 s26, $0x1;
	_ =	strace $0x80000046;
	[dreg:$0x1] =	wrdreg $0xFFFFFFFF  }
0xa9: {  	s28 =	simm.s32 $_size_execute0_lowered;
	s5 =	sadd.s32 s5, s6;
	[dreg:$0x0] =	wrdreg $0x0  }
0xaa: {  	s6 =	sshll.u32 s28, $0x1;
	[dreg:$0x2] =	wrdreg s5  }
0xab: {  	[dreg:$0x3] =	wrdreg s6  }
0xac: {  	[dreg:$0x4] =	wrdreg $0xC0  }
0xad: {  	_ =	task [dreg:s9], $0x5FFFF  }
0xae: {  	[dreg:$0x1] =	wrdreg $0xFFFFFFFF  }
0xaf: {  	[dreg:$0x0] =	wrdreg $0x60  }
0xb0: {  	[dreg:$0x2] =	wrdreg s2  }
0xb1: {  	[dreg:$0x3] =	wrdreg s19  }
0xb2: {  	[dreg:$0x4] =	wrdreg s4  }
0xb3: {  	[dreg:$0x5] =	wrdreg $0x9  }
0xb4: {  	_ =	task.clear_ibuf [dreg:s9], $0x6FFFF;
	_ =	strace $0x90000046  }
0xb5: {  	s29 =	simm.s32 $0x9;
	_ =	strace $0x80000048  }
0xb6: {  	_ =	swait.ge [sflag:s29], $0x1  }
0xb7: {  	[sflag:s29] =	ssyncadd.s32 $0xFFFFFFFF  }
0xb8: {  	_ =	strace $0x90000048  }
0xb9: {  	_ =	sfence  }
0xba: {  	s30 =	sld [smem:$0x0];
	_ =	sdelay $0x2  }
0xbb: {  	s31 =	sshll.u32 s1, $0xD;
	s1 =	sshrl.u32 s1, $0x2  }
0xbc: {  	s3 =	sand.u32 $0x4000, s31;
	s1 =	sadd.s32 s1, s30  }
0xbd: {  	s0 =	sor.u32 s3, s0;
	s1 =	sshll.u32 s1, $0x11  }
0xbe: {  	s0 =	sor.u32 s1, s0  }
0xbf: {  	s0 =	sadd.s32 $0x8F2B, s0  }
0xc0: {  	[sflag:s0] =	ssyncadd.remote.s32 $0x1  }
0xc1: {  	_ =	sfence.sel $0xFFFF  }
0xc2: {  	[dreg:$0x0] =	wrdreg $0xFFFFFFFF;
	(pc) =	sbr.abs _section_cstart, $3  }
0xc3: {  	[dreg:$0x1] =	wrdreg $0xFFFFFFFF  }
0xc4: {  	_ =	task.clear_ibuf [dreg:s9], $0x2FFFF;
	_ =	strace $0x9FFFFFFF  }
0xc5: {  	(tm) =	ssettm $0x7FFFFFFF  }
tec
execute0_lowered:
.L_overlay_start_1:
0x0: {  	(tag) =	ssettag $0x1  }
0x1: {  	s1 =	rddreg [dreg:$0x0]  }
0x2: {  	s0 =	rddreg [dreg:$0x1]  }
0x3: {  	s2 =	rddreg [dreg:$0x2]  }
0x4: {  	s4 =	srdreg.scid;
	s3 =	simm.s32 $0x0;
	s5 =	stileid.u32  }
0x5: {  	s28 =	simm.s32 $0x3;
	s31 =	simm.s32 $0x8100;
	s11 =	simm.s32 $0x9900  }
0x6: {  	s10 =	simm.s32 $0xA900;
	s12 =	simm.s32 $0xB100;
	s13 =	simm.s32 $0xB900  }
0x7: {  	s14 =	simm.s32 $0xC100;
	s15 =	simm.s32 $0xC900;
	s16 =	simm.s32 $0xD100  }
0x8: {  	s17 =	simm.s32 $0xD900;
	s18 =	simm.s32 $0xE100;
	s19 =	simm.s32 $0xE900  }
0x9: {  	s20 =	simm.s32 $0xF100;
	s21 =	simm.s32 $0xF900;
	s4 =	sand.u32 $0x1, s4  }
0xa: {  	s22 =	simm.s32 $0x10100;
	s5 =	sshll.u32 s5, $0x9;
	s6 =	sshll.u32 s4, $0x8  }
0xb: {  	s29 =	simm.s32 $0x12100;
	[smem:$0x7FF] =	sst s3;
	s5 =	sor.u32 s6, s5  }
0xc: {  	_ =	strace $0x80000047;
	s4 =	ssub.s32 $0x2, s4;
	s6 =	sshrl.u32 s5, $0x3  }
0xd: {  	s7 =	sshrl.u32 s4, $0x1;
	s5 =	sshll.u32 s5, $0x7;
	s0 =	sadd.s32 s0, s6  }
0xe: {  	s23 =	ssub.s32 s4, s7;
	s8 =	sadd.s32 s2, s5;
	[dreg:$0x4] =	wrdreg s0  }
0xf: {  	s7 =	sadd.s32 $0x300, s1;
	s24 =	sadd.s32 $0x1C00, s8;
	[dreg:$0x9] =	wrdreg s8  }
0x10: {  	s4 =	simm.s32 $0x100;
	s25 =	sadd.s32 $0x3800, s8;
	[dreg:$0x5] =	wrdreg s24  }
0x11: {  	s5 =	sadd.s32 $0x100, s1;
	s26 =	sadd.s32 $0x5400, s8;
	[dreg:$0x6] =	wrdreg s25  }
0x12: {  	v2 =	vlaneseq.u32;
	s6 =	sadd.s32 $0x200, s1;
	s30 =	sadd.s32 $0x7000, s8;
	[dreg:$0x7] =	wrdreg s26  }
0x13: {  	vm0 =	vmmov $0xffff;
	v1 =	vshrl.u32 v2, $0x3;
	s8 =	smax.u32 s23, $0x1;
	s23 =	simm.s32 $0x10900;
	[dreg:$0x8] =	wrdreg s30  }
0x14: {  	v0 =	vand.u32 $0x7, v2;
	v2 =	vor.u32 $0x8, v2;
	v1 =	vmul.u32 $0x8, v1;
	s26 =	simm.s32 $0x1;
	s24 =	simm.s32 $0x11100;
	s25 =	simm.s32 $0x11900  }
.LBB2_1:
0x15: {  	s30 =	rddreg [dreg:$0x4];
	s2 =	simm.s32 $0x5  }
0x16: {  	[tilespmem:s3], [sflag:$0x5] =	stream.linear.gather [hbm4b:s30+s3], $0x100, $0x38;
	[tilespmem:$0x1C100] =	vst v63  }
0x17: {  	_ =	swait.ge [sflag:s2], $0x100  }
0x18: {  	[sflag:s2] =	ssyncset.done $0x0  }
0x19: {  	[sflag:s2] =	ssyncadd.s32 $0xFFFFFF00  }
0x1a: {  	v3 =	vld [tilespmem:$0x0];
	_ =	sdelay $0x4  }
0x1b: {  	v4 =	vshll.u32 v3, $0x3  }
0x1c: {  	v3 =	vand.u32 $0x7, v3;
	v4 =	vand.u32 $0xFFFFFFC0, v4  }
0x1d: {  	v3 =	vor.u32 v3, v4  }
0x1e: {  	v4 =	vperm.xlane v3, v0;
	_ =	sdelay $0x1  }
0x1f: {  	v4 =	vadd.s32 v1, v4;
	_ =	sdelay $0x4  }
0x20: {  	[tilespmem:s4], [sflag:$0x1] =	stream.indirect_vreg.gather [hbm4b:s1+s3], $0x80, v4, vm0, $0xb8;
	[tilespmem:$0x1C100] =	vst v63  }
0x21: {  	s0 =	simm.s32 $0x900;
	v3 =	vperm.xlane v3, v2  }
0x22: {  	[tilespmem:s0], [sflag:$0x1] =	stream.indirect_vreg.gather [hbm4b:s5+s3], $0x80, v4, vm0, $0xb8;
	[tilespmem:$0x1C100] =	vst v63  }
0x23: {  	s30 =	simm.s32 $0x1100;
	v3 =	vadd.s32 v1, v3  }
0x24: {  	[tilespmem:s30], [sflag:$0x1] =	stream.indirect_vreg.gather [hbm4b:s6+s3], $0x80, v4, vm0, $0xb8;
	[tilespmem:$0x1C100] =	vst v63  }
0x25: {  	s2 =	simm.s32 $0x1900  }
0x26: {  	[tilespmem:s2], [sflag:$0x1] =	stream.indirect_vreg.gather [hbm4b:s7+s3], $0x80, v4, vm0, $0xb8;
	[tilespmem:$0x1C100] =	vst v63  }
0x27: {  	s9 =	simm.s32 $0x2100  }
0x28: {  	[tilespmem:s9], [sflag:$0x1] =	stream.indirect_vreg.gather [hbm4b:s1+s3], $0x80, v3, vm0, $0xb8;
	[tilespmem:$0x1C100] =	vst v63  }
0x29: {  	s30 =	simm.s32 $0x2900  }
0x2a: {  	[tilespmem:s30], [sflag:$0x1] =	stream.indirect_vreg.gather [hbm4b:s5+s3], $0x80, v3, vm0, $0xb8;
	[tilespmem:$0x1C100] =	vst v63  }
0x2b: {  	s2 =	simm.s32 $0x3100  }
0x2c: {  	[tilespmem:s2], [sflag:$0x1] =	stream.indirect_vreg.gather [hbm4b:s6+s3], $0x80, v3, vm0, $0xb8;
	[tilespmem:$0x1C100] =	vst v63  }
0x2d: {  	s9 =	simm.s32 $0x3900  }
0x2e: {  	[tilespmem:s9], [sflag:$0x1] =	stream.indirect_vreg.gather [hbm4b:s7+s3], $0x80, v3, vm0, $0xb8;
	[tilespmem:$0x1C100] =	vst v63  }
0x2f: {  	v3 =	vld [tilespmem:$0x10];
	_ =	sdelay $0x4  }
0x30: {  	v47 =	vshll.u32 v3, $0x3  }
0x31: {  	v3 =	vand.u32 $0x7, v3;
	v4 =	vand.u32 $0xFFFFFFC0, v47  }
0x32: {  	v3 =	vor.u32 v3, v4  }
0x33: {  	v4 =	vperm.xlane v3, v0;
	_ =	sdelay $0x1  }
0x34: {  	v4 =	vadd.s32 v1, v4;
	_ =	sdelay $0x3  }
0x35: {  	s30 =	simm.s32 $0x4100  }
0x36: {  	[tilespmem:s30], [sflag:$0x1] =	stream.indirect_vreg.gather [hbm4b:s1+s3], $0x80, v4, vm0, $0xb8;
	[tilespmem:$0x1C100] =	vst v63  }
0x37: {  	s2 =	simm.s32 $0x4900;
	v3 =	vperm.xlane v3, v2  }
0x38: {  	[tilespmem:s2], [sflag:$0x1] =	stream.indirect_vreg.gather [hbm4b:s5+s3], $0x80, v4, vm0, $0xb8;
	[tilespmem:$0x1C100] =	vst v63  }
0x39: {  	s9 =	simm.s32 $0x5100;
	v3 =	vadd.s32 v1, v3  }
0x3a: {  	[tilespmem:s9], [sflag:$0x1] =	stream.indirect_vreg.gather [hbm4b:s6+s3], $0x80, v4, vm0, $0xb8;
	[tilespmem:$0x1C100] =	vst v63  }
0x3b: {  	s30 =	simm.s32 $0x5900  }
0x3c: {  	[tilespmem:s30], [sflag:$0x1] =	stream.indirect_vreg.gather [hbm4b:s7+s3], $0x80, v4, vm0, $0xb8;
	[tilespmem:$0x1C100] =	vst v63  }
0x3d: {  	s2 =	simm.s32 $0x6100  }
0x3e: {  	[tilespmem:s2], [sflag:$0x1] =	stream.indirect_vreg.gather [hbm4b:s1+s3], $0x80, v3, vm0, $0xb8;
	[tilespmem:$0x1C100] =	vst v63  }
0x3f: {  	s9 =	simm.s32 $0x6900  }
0x40: {  	[tilespmem:s9], [sflag:$0x1] =	stream.indirect_vreg.gather [hbm4b:s5+s3], $0x80, v3, vm0, $0xb8;
	[tilespmem:$0x1C100] =	vst v63  }
0x41: {  	s30 =	simm.s32 $0x7100  }
0x42: {  	[tilespmem:s30], [sflag:$0x1] =	stream.indirect_vreg.gather [hbm4b:s6+s3], $0x80, v3, vm0, $0xb8;
	[tilespmem:$0x1C100] =	vst v63  }
0x43: {  	s2 =	simm.s32 $0x7900  }
0x44: {  	[tilespmem:s2], [sflag:$0x1] =	stream.indirect_vreg.gather [hbm4b:s7+s3], $0x80, v3, vm0, $0xb8;
	[tilespmem:$0x1C100] =	vst v63  }
0x45: {  	v3 =	vld [tilespmem:$0x20];
	_ =	sdelay $0x4  }
0x46: {  	v48 =	vshll.u32 v3, $0x3  }
0x47: {  	v3 =	vand.u32 $0x7, v3;
	v4 =	vand.u32 $0xFFFFFFC0, v48  }
0x48: {  	v3 =	vor.u32 v3, v4  }
0x49: {  	v4 =	vperm.xlane v3, v0;
	_ =	sdelay $0x1  }
0x4a: {  	v4 =	vadd.s32 v1, v4;
	_ =	sdelay $0x4  }
0x4b: {  	[tilespmem:s31], [sflag:$0x1] =	stream.indirect_vreg.gather [hbm4b:s1+s3], $0x80, v4, vm0, $0xb8;
	[tilespmem:$0x1C100] =	vst v63  }
0x4c: {  	s2 =	simm.s32 $0x8900;
	v3 =	vperm.xlane v3, v2  }
0x4d: {  	[tilespmem:s2], [sflag:$0x1] =	stream.indirect_vreg.gather [hbm4b:s5+s3], $0x80, v4, vm0, $0xb8;
	[tilespmem:$0x1C100] =	vst v63  }
0x4e: {  	s9 =	simm.s32 $0x9100;
	v3 =	vadd.s32 v1, v3  }
0x4f: {  	[tilespmem:s9], [sflag:$0x1] =	stream.indirect_vreg.gather [hbm4b:s6+s3], $0x80, v4, vm0, $0xb8;
	[tilespmem:$0x1C100] =	vst v63  }
0x50: {  	_ = 	snop  }
0x51: {  	[tilespmem:s11], [sflag:$0x1] =	stream.indirect_vreg.gather [hbm4b:s7+s3], $0x80, v4, vm0, $0xb8;
	[tilespmem:$0x1C100] =	vst v63  }
0x52: {  	s0 =	simm.s32 $0xA100  }
0x53: {  	[tilespmem:s0], [sflag:$0x1] =	stream.indirect_vreg.gather [hbm4b:s1+s3], $0x80, v3, vm0, $0xb8;
	[tilespmem:$0x1C100] =	vst v63  }
0x54: {  	_ = 	snop  }
0x55: {  	[tilespmem:s10], [sflag:$0x1] =	stream.indirect_vreg.gather [hbm4b:s5+s3], $0x80, v3, vm0, $0xb8;
	[tilespmem:$0x1C100] =	vst v63  }
0x56: {  	_ = 	snop  }
0x57: {  	[tilespmem:s12], [sflag:$0x1] =	stream.indirect_vreg.gather [hbm4b:s6+s3], $0x80, v3, vm0, $0xb8;
	[tilespmem:$0x1C100] =	vst v63  }
0x58: {  	_ = 	snop  }
0x59: {  	[tilespmem:s13], [sflag:$0x1] =	stream.indirect_vreg.gather [hbm4b:s7+s3], $0x80, v3, vm0, $0xb8;
	[tilespmem:$0x1C100] =	vst v63  }
0x5a: {  	v3 =	vld.msk [tilespmem:$0x30], $0xff;
	_ =	sdelay $0x4  }
0x5b: {  	v49 =	vshll.u32 v3, $0x3  }
0x5c: {  	v3 =	vand.u32 $0x7, v3;
	v4 =	vand.u32 $0xFFFFFFC0, v49  }
0x5d: {  	v3 =	vor.u32 v3, v4  }
0x5e: {  	v3 =	vperm.xlane v3, v0;
	_ =	sdelay $0x1  }
0x5f: {  	v3 =	vadd.s32 v1, v3;
	_ =	sdelay $0x4  }
0x60: {  	[tilespmem:s14], [sflag:$0x1] =	stream.indirect_vreg.gather [hbm4b:s1+s3], $0x80, v3, vm0, $0xb8;
	[tilespmem:$0x1C100] =	vst v63  }
0x61: {  	_ = 	snop  }
0x62: {  	[tilespmem:s15], [sflag:$0x1] =	stream.indirect_vreg.gather [hbm4b:s5+s3], $0x80, v3, vm0, $0xb8;
	[tilespmem:$0x1C100] =	vst v63  }
0x63: {  	_ = 	snop  }
0x64: {  	[tilespmem:s16], [sflag:$0x1] =	stream.indirect_vreg.gather [hbm4b:s6+s3], $0x80, v3, vm0, $0xb8;
	[tilespmem:$0x1C100] =	vst v63  }
0x65: {  	_ = 	snop  }
0x66: {  	[tilespmem:s17], [sflag:$0x1] =	stream.indirect_vreg.gather [hbm4b:s7+s3], $0x80, v3, vm0, $0xb8;
	[tilespmem:$0x1C100] =	vst v63  }
0x67: {  	v3 =	vld [tilespmem:$0x38];
	_ =	sdelay $0x4  }
0x68: {  	v50 =	vshll.u32 v3, $0x3  }
0x69: {  	v3 =	vand.u32 $0x7, v3;
	v4 =	vand.u32 $0xFFFFFFC0, v50  }
0x6a: {  	v3 =	vor.u32 v3, v4  }
0x6b: {  	v4 =	vperm.xlane v3, v0;
	_ =	sdelay $0x1  }
0x6c: {  	v4 =	vadd.s32 v1, v4;
	_ =	sdelay $0x4  }
0x6d: {  	[tilespmem:s18], [sflag:$0x2] =	stream.indirect_vreg.gather [hbm4b:s1+s3], $0x80, v4, vm0, $0xb8;
	[tilespmem:$0x1C100] =	vst v63  }
0x6e: {  	v3 =	vperm.xlane v3, v2  }
0x6f: {  	[tilespmem:s19], [sflag:$0x2] =	stream.indirect_vreg.gather [hbm4b:s5+s3], $0x80, v4, vm0, $0xb8;
	[tilespmem:$0x1C100] =	vst v63  }
0x70: {  	v3 =	vadd.s32 v1, v3  }
0x71: {  	[tilespmem:s20], [sflag:$0x2] =	stream.indirect_vreg.gather [hbm4b:s6+s3], $0x80, v4, vm0, $0xb8;
	[tilespmem:$0x1C100] =	vst v63  }
0x72: {  	_ = 	snop  }
0x73: {  	[tilespmem:s21], [sflag:$0x2] =	stream.indirect_vreg.gather [hbm4b:s7+s3], $0x80, v4, vm0, $0xb8;
	[tilespmem:$0x1C100] =	vst v63  }
0x74: {  	_ = 	snop  }
0x75: {  	[tilespmem:s22], [sflag:$0x2] =	stream.indirect_vreg.gather [hbm4b:s1+s3], $0x80, v3, vm0, $0xb8;
	[tilespmem:$0x1C100] =	vst v63  }
0x76: {  	_ = 	snop  }
0x77: {  	[tilespmem:s23], [sflag:$0x2] =	stream.indirect_vreg.gather [hbm4b:s5+s3], $0x80, v3, vm0, $0xb8;
	[tilespmem:$0x1C100] =	vst v63  }
0x78: {  	_ = 	snop  }
0x79: {  	[tilespmem:s24], [sflag:$0x2] =	stream.indirect_vreg.gather [hbm4b:s6+s3], $0x80, v3, vm0, $0xb8;
	[tilespmem:$0x1C100] =	vst v63  }
0x7a: {  	_ = 	snop  }
0x7b: {  	[tilespmem:s25], [sflag:$0x2] =	stream.indirect_vreg.gather [hbm4b:s7+s3], $0x80, v3, vm0, $0xb8;
	[tilespmem:$0x1C100] =	vst v63  }
0x7c: {  	v3 =	vld [tilespmem:$0x48];
	_ =	sdelay $0x4  }
0x7d: {  	v51 =	vshll.u32 v3, $0x3  }
0x7e: {  	v3 =	vand.u32 $0x7, v3;
	v4 =	vand.u32 $0xFFFFFFC0, v51  }
0x7f: {  	v3 =	vor.u32 v3, v4  }
0x80: {  	v4 =	vperm.xlane v3, v0;
	_ =	sdelay $0x1  }
0x81: {  	v4 =	vadd.s32 v1, v4;
	_ =	sdelay $0x4  }
0x82: {  	[tilespmem:s29], [sflag:$0x2] =	stream.indirect_vreg.gather [hbm4b:s1+s3], $0x80, v4, vm0, $0xb8;
	[tilespmem:$0x1C100] =	vst v63  }
0x83: {  	s30 =	simm.s32 $0x12900;
	v3 =	vperm.xlane v3, v2  }
0x84: {  	[tilespmem:s30], [sflag:$0x2] =	stream.indirect_vreg.gather [hbm4b:s5+s3], $0x80, v4, vm0, $0xb8;
	[tilespmem:$0x1C100] =	vst v63  }
0x85: {  	v3 =	vadd.s32 v1, v3;
	s30 =	simm.s32 $0x13100  }
0x86: {  	[tilespmem:s30], [sflag:$0x2] =	stream.indirect_vreg.gather [hbm4b:s6+s3], $0x80, v4, vm0, $0xb8;
	[tilespmem:$0x1C100] =	vst v63  }
0x87: {  	s30 =	simm.s32 $0x13900  }
0x88: {  	[tilespmem:s30], [sflag:$0x2] =	stream.indirect_vreg.gather [hbm4b:s7+s3], $0x80, v4, vm0, $0xb8;
	[tilespmem:$0x1C100] =	vst v63  }
0x89: {  	s30 =	simm.s32 $0x14100  }
0x8a: {  	[tilespmem:s30], [sflag:$0x2] =	stream.indirect_vreg.gather [hbm4b:s1+s3], $0x80, v3, vm0, $0xb8;
	[tilespmem:$0x1C100] =	vst v63  }
0x8b: {  	s30 =	simm.s32 $0x14900  }
0x8c: {  	[tilespmem:s30], [sflag:$0x2] =	stream.indirect_vreg.gather [hbm4b:s5+s3], $0x80, v3, vm0, $0xb8;
	[tilespmem:$0x1C100] =	vst v63  }
0x8d: {  	s30 =	simm.s32 $0x15100  }
0x8e: {  	[tilespmem:s30], [sflag:$0x2] =	stream.indirect_vreg.gather [hbm4b:s6+s3], $0x80, v3, vm0, $0xb8;
	[tilespmem:$0x1C100] =	vst v63  }
0x8f: {  	s30 =	simm.s32 $0x15900  }
0x90: {  	[tilespmem:s30], [sflag:$0x2] =	stream.indirect_vreg.gather [hbm4b:s7+s3], $0x80, v3, vm0, $0xb8;
	[tilespmem:$0x1C100] =	vst v63  }
0x91: {  	v3 =	vld [tilespmem:$0x58];
	_ =	sdelay $0x4  }
0x92: {  	v52 =	vshll.u32 v3, $0x3  }
0x93: {  	v3 =	vand.u32 $0x7, v3;
	v4 =	vand.u32 $0xFFFFFFC0, v52  }
0x94: {  	v3 =	vor.u32 v3, v4  }
0x95: {  	v4 =	vperm.xlane v3, v0;
	_ =	sdelay $0x1  }
0x96: {  	v4 =	vadd.s32 v1, v4;
	_ =	sdelay $0x3  }
0x97: {  	s30 =	simm.s32 $0x16100  }
0x98: {  	[tilespmem:s30], [sflag:$0x2] =	stream.indirect_vreg.gather [hbm4b:s1+s3], $0x80, v4, vm0, $0xb8;
	[tilespmem:$0x1C100] =	vst v63  }
0x99: {  	v3 =	vperm.xlane v3, v2;
	s30 =	simm.s32 $0x16900  }
0x9a: {  	[tilespmem:s30], [sflag:$0x2] =	stream.indirect_vreg.gather [hbm4b:s5+s3], $0x80, v4, vm0, $0xb8;
	[tilespmem:$0x1C100] =	vst v63  }
0x9b: {  	v3 =	vadd.s32 v1, v3;
	s30 =	simm.s32 $0x17100  }
0x9c: {  	[tilespmem:s30], [sflag:$0x2] =	stream.indirect_vreg.gather [hbm4b:s6+s3], $0x80, v4, vm0, $0xb8;
	[tilespmem:$0x1C100] =	vst v63  }
0x9d: {  	s30 =	simm.s32 $0x17900  }
0x9e: {  	[tilespmem:s30], [sflag:$0x2] =	stream.indirect_vreg.gather [hbm4b:s7+s3], $0x80, v4, vm0, $0xb8;
	[tilespmem:$0x1C100] =	vst v63  }
0x9f: {  	s30 =	simm.s32 $0x18100  }
0xa0: {  	[tilespmem:s30], [sflag:$0x2] =	stream.indirect_vreg.gather [hbm4b:s1+s3], $0x80, v3, vm0, $0xb8;
	[tilespmem:$0x1C100] =	vst v63  }
0xa1: {  	s30 =	simm.s32 $0x18900  }
0xa2: {  	[tilespmem:s30], [sflag:$0x2] =	stream.indirect_vreg.gather [hbm4b:s5+s3], $0x80, v3, vm0, $0xb8;
	[tilespmem:$0x1C100] =	vst v63  }
0xa3: {  	s30 =	simm.s32 $0x19100  }
0xa4: {  	[tilespmem:s30], [sflag:$0x2] =	stream.indirect_vreg.gather [hbm4b:s6+s3], $0x80, v3, vm0, $0xb8;
	[tilespmem:$0x1C100] =	vst v63  }
0xa5: {  	s30 =	simm.s32 $0x19900  }
0xa6: {  	[tilespmem:s30], [sflag:$0x2] =	stream.indirect_vreg.gather [hbm4b:s7+s3], $0x80, v3, vm0, $0xb8;
	[tilespmem:$0x1C100] =	vst v63  }
0xa7: {  	v3 =	vld.msk [tilespmem:$0x68], $0xff;
	_ =	sdelay $0x4  }
0xa8: {  	v53 =	vshll.u32 v3, $0x3  }
0xa9: {  	v3 =	vand.u32 $0x7, v3;
	v4 =	vand.u32 $0xFFFFFFC0, v53  }
0xaa: {  	v3 =	vor.u32 v3, v4  }
0xab: {  	v3 =	vperm.xlane v3, v0;
	_ =	sdelay $0x1  }
0xac: {  	v3 =	vadd.s32 v1, v3;
	_ =	sdelay $0x3  }
0xad: {  	s30 =	simm.s32 $0x1A100  }
0xae: {  	[tilespmem:s30], [sflag:$0x2] =	stream.indirect_vreg.gather [hbm4b:s1+s3], $0x80, v3, vm0, $0xb8;
	[tilespmem:$0x1C100] =	vst v63  }
0xaf: {  	s30 =	simm.s32 $0x1A900  }
0xb0: {  	[tilespmem:s30], [sflag:$0x2] =	stream.indirect_vreg.gather [hbm4b:s5+s3], $0x80, v3, vm0, $0xb8;
	[tilespmem:$0x1C100] =	vst v63  }
0xb1: {  	s30 =	simm.s32 $0x1B100  }
0xb2: {  	[tilespmem:s30], [sflag:$0x2] =	stream.indirect_vreg.gather [hbm4b:s6+s3], $0x80, v3, vm0, $0xb8;
	[tilespmem:$0x1C100] =	vst v63  }
0xb3: {  	s30 =	simm.s32 $0x1B900  }
0xb4: {  	[tilespmem:s30], [sflag:$0x2] =	stream.indirect_vreg.gather [hbm4b:s7+s3], $0x80, v3, vm0, $0xb8;
	[tilespmem:$0x1C100] =	vst v63  }
0xb5: {  	_ =	swait.ge [sflag:s26], $0xE000  }
0xb6: {  	[sflag:s26] =	ssyncset.done $0x0  }
0xb7: {  	s30 =	rddreg [dreg:$0x9];
	[sflag:s26] =	ssyncadd.s32 $0xFFFF2000  }
0xb8: {  	[hbm4b:s30+s3] =	stream.linear.scatter [tilespmem:s4], [sflag:$0x3], $0xE000, $0x38;
	[tilespmem:$0x1C100] =	vst v63  }
0xb9: {  	_ =	swait.ge [sflag:s28], $0xE000  }
0xba: {  	[sflag:s28] =	ssyncset.done $0x0  }
0xbb: {  	[sflag:s28] =	ssyncadd.s32 $0xFFFF2000  }
0xbc: {  	v3 =	vld [tilespmem:$0x70];
	_ =	sdelay $0x4  }
0xbd: {  	v54 =	vshll.u32 v3, $0x3  }
0xbe: {  	v3 =	vand.u32 $0x7, v3;
	v4 =	vand.u32 $0xFFFFFFC0, v54  }
0xbf: {  	v3 =	vor.u32 v3, v4  }
0xc0: {  	v4 =	vperm.xlane v3, v0;
	_ =	sdelay $0x1  }
0xc1: {  	v4 =	vadd.s32 v1, v4;
	_ =	sdelay $0x4  }
0xc2: {  	[tilespmem:s4], [sflag:$0x1] =	stream.indirect_vreg.gather [hbm4b:s1+s3], $0x80, v4, vm0, $0xb8;
	[tilespmem:$0x1C100] =	vst v63  }
0xc3: {  	s30 =	simm.s32 $0x900;
	v3 =	vperm.xlane v3, v2  }
0xc4: {  	[tilespmem:s30], [sflag:$0x1] =	stream.indirect_vreg.gather [hbm4b:s5+s3], $0x80, v4, vm0, $0xb8;
	[tilespmem:$0x1C100] =	vst v63  }
0xc5: {  	v3 =	vadd.s32 v1, v3;
	s30 =	simm.s32 $0x1100  }
0xc6: {  	[tilespmem:s30], [sflag:$0x1] =	stream.indirect_vreg.gather [hbm4b:s6+s3], $0x80, v4, vm0, $0xb8;
	[tilespmem:$0x1C100] =	vst v63  }
0xc7: {  	s30 =	simm.s32 $0x1900  }
0xc8: {  	[tilespmem:s30], [sflag:$0x1] =	stream.indirect_vreg.gather [hbm4b:s7+s3], $0x80, v4, vm0, $0xb8;
	[tilespmem:$0x1C100] =	vst v63  }
0xc9: {  	s30 =	simm.s32 $0x2100  }
0xca: {  	[tilespmem:s30], [sflag:$0x1] =	stream.indirect_vreg.gather [hbm4b:s1+s3], $0x80, v3, vm0, $0xb8;
	[tilespmem:$0x1C100] =	vst v63  }
0xcb: {  	s30 =	simm.s32 $0x2900  }
0xcc: {  	[tilespmem:s30], [sflag:$0x1] =	stream.indirect_vreg.gather [hbm4b:s5+s3], $0x80, v3, vm0, $0xb8;
	[tilespmem:$0x1C100] =	vst v63  }
0xcd: {  	s30 =	simm.s32 $0x3100  }
0xce: {  	[tilespmem:s30], [sflag:$0x1] =	stream.indirect_vreg.gather [hbm4b:s6+s3], $0x80, v3, vm0, $0xb8;
	[tilespmem:$0x1C100] =	vst v63  }
0xcf: {  	s30 =	simm.s32 $0x3900  }
0xd0: {  	[tilespmem:s30], [sflag:$0x1] =	stream.indirect_vreg.gather [hbm4b:s7+s3], $0x80, v3, vm0, $0xb8;
	[tilespmem:$0x1C100] =	vst v63  }
0xd1: {  	v3 =	vld [tilespmem:$0x80];
	_ =	sdelay $0x4  }
0xd2: {  	v55 =	vshll.u32 v3, $0x3  }
0xd3: {  	v3 =	vand.u32 $0x7, v3;
	v4 =	vand.u32 $0xFFFFFFC0, v55  }
0xd4: {  	v3 =	vor.u32 v3, v4  }
0xd5: {  	v4 =	vperm.xlane v3, v0;
	_ =	sdelay $0x1  }
0xd6: {  	v4 =	vadd.s32 v1, v4;
	_ =	sdelay $0x3  }
0xd7: {  	s30 =	simm.s32 $0x4100  }
0xd8: {  	[tilespmem:s30], [sflag:$0x1] =	stream.indirect_vreg.gather [hbm4b:s1+s3], $0x80, v4, vm0, $0xb8;
	[tilespmem:$0x1C100] =	vst v63  }
0xd9: {  	v3 =	vperm.xlane v3, v2;
	s30 =	simm.s32 $0x4900  }
0xda: {  	[tilespmem:s30], [sflag:$0x1] =	stream.indirect_vreg.gather [hbm4b:s5+s3], $0x80, v4, vm0, $0xb8;
	[tilespmem:$0x1C100] =	vst v63  }
0xdb: {  	v3 =	vadd.s32 v1, v3;
	s30 =	simm.s32 $0x5100  }
0xdc: {  	[tilespmem:s30], [sflag:$0x1] =	stream.indirect_vreg.gather [hbm4b:s6+s3], $0x80, v4, vm0, $0xb8;
	[tilespmem:$0x1C100] =	vst v63  }
0xdd: {  	s30 =	simm.s32 $0x5900  }
0xde: {  	[tilespmem:s30], [sflag:$0x1] =	stream.indirect_vreg.gather [hbm4b:s7+s3], $0x80, v4, vm0, $0xb8;
	[tilespmem:$0x1C100] =	vst v63  }
0xdf: {  	s30 =	simm.s32 $0x6100  }
0xe0: {  	[tilespmem:s30], [sflag:$0x1] =	stream.indirect_vreg.gather [hbm4b:s1+s3], $0x80, v3, vm0, $0xb8;
	[tilespmem:$0x1C100] =	vst v63  }
0xe1: {  	s30 =	simm.s32 $0x6900  }
0xe2: {  	[tilespmem:s30], [sflag:$0x1] =	stream.indirect_vreg.gather [hbm4b:s5+s3], $0x80, v3, vm0, $0xb8;
	[tilespmem:$0x1C100] =	vst v63  }
0xe3: {  	s30 =	simm.s32 $0x7100  }
0xe4: {  	[tilespmem:s30], [sflag:$0x1] =	stream.indirect_vreg.gather [hbm4b:s6+s3], $0x80, v3, vm0, $0xb8;
	[tilespmem:$0x1C100] =	vst v63  }
0xe5: {  	s30 =	simm.s32 $0x7900  }
0xe6: {  	[tilespmem:s30], [sflag:$0x1] =	stream.indirect_vreg.gather [hbm4b:s7+s3], $0x80, v3, vm0, $0xb8;
	[tilespmem:$0x1C100] =	vst v63  }
0xe7: {  	v3 =	vld [tilespmem:$0x90];
	_ =	sdelay $0x4  }
0xe8: {  	v56 =	vshll.u32 v3, $0x3  }
0xe9: {  	v3 =	vand.u32 $0x7, v3;
	v4 =	vand.u32 $0xFFFFFFC0, v56  }
0xea: {  	v3 =	vor.u32 v3, v4  }
0xeb: {  	v4 =	vperm.xlane v3, v0;
	_ =	sdelay $0x1  }
0xec: {  	v4 =	vadd.s32 v1, v4;
	_ =	sdelay $0x4  }
0xed: {  	[tilespmem:s31], [sflag:$0x1] =	stream.indirect_vreg.gather [hbm4b:s1+s3], $0x80, v4, vm0, $0xb8;
	[tilespmem:$0x1C100] =	vst v63  }
0xee: {  	v3 =	vperm.xlane v3, v2  }
0xef: {  	[tilespmem:s2], [sflag:$0x1] =	stream.indirect_vreg.gather [hbm4b:s5+s3], $0x80, v4, vm0, $0xb8;
	[tilespmem:$0x1C100] =	vst v63  }
0xf0: {  	v3 =	vadd.s32 v1, v3  }
0xf1: {  	[tilespmem:s9], [sflag:$0x1] =	stream.indirect_vreg.gather [hbm4b:s6+s3], $0x80, v4, vm0, $0xb8;
	[tilespmem:$0x1C100] =	vst v63  }
0xf2: {  	_ = 	snop  }
0xf3: {  	[tilespmem:s11], [sflag:$0x1] =	stream.indirect_vreg.gather [hbm4b:s7+s3], $0x80, v4, vm0, $0xb8;
	[tilespmem:$0x1C100] =	vst v63  }
0xf4: {  	_ = 	snop  }
0xf5: {  	[tilespmem:s0], [sflag:$0x1] =	stream.indirect_vreg.gather [hbm4b:s1+s3], $0x80, v3, vm0, $0xb8;
	[tilespmem:$0x1C100] =	vst v63  }
0xf6: {  	_ = 	snop  }
0xf7: {  	[tilespmem:s10], [sflag:$0x1] =	stream.indirect_vreg.gather [hbm4b:s5+s3], $0x80, v3, vm0, $0xb8;
	[tilespmem:$0x1C100] =	vst v63  }
0xf8: {  	_ = 	snop  }
0xf9: {  	[tilespmem:s12], [sflag:$0x1] =	stream.indirect_vreg.gather [hbm4b:s6+s3], $0x80, v3, vm0, $0xb8;
	[tilespmem:$0x1C100] =	vst v63  }
0xfa: {  	_ = 	snop  }
0xfb: {  	[tilespmem:s13], [sflag:$0x1] =	stream.indirect_vreg.gather [hbm4b:s7+s3], $0x80, v3, vm0, $0xb8;
	[tilespmem:$0x1C100] =	vst v63  }
0xfc: {  	v3 =	vld.msk [tilespmem:$0xA0], $0xff;
	_ =	sdelay $0x4  }
0xfd: {  	v57 =	vshll.u32 v3, $0x3  }
0xfe: {  	v3 =	vand.u32 $0x7, v3;
	v4 =	vand.u32 $0xFFFFFFC0, v57  }
0xff: {  	v3 =	vor.u32 v3, v4  }
0x100: {  	v3 =	vperm.xlane v3, v0;
	_ =	sdelay $0x1  }
0x101: {  	v3 =	vadd.s32 v1, v3;
	_ =	sdelay $0x4  }
0x102: {  	[tilespmem:s14], [sflag:$0x1] =	stream.indirect_vreg.gather [hbm4b:s1+s3], $0x80, v3, vm0, $0xb8;
	[tilespmem:$0x1C100] =	vst v63  }
0x103: {  	_ = 	snop  }
0x104: {  	[tilespmem:s15], [sflag:$0x1] =	stream.indirect_vreg.gather [hbm4b:s5+s3], $0x80, v3, vm0, $0xb8;
	[tilespmem:$0x1C100] =	vst v63  }
0x105: {  	_ = 	snop  }
0x106: {  	[tilespmem:s16], [sflag:$0x1] =	stream.indirect_vreg.gather [hbm4b:s6+s3], $0x80, v3, vm0, $0xb8;
	[tilespmem:$0x1C100] =	vst v63  }
0x107: {  	s0 =	simm.s32 $0x2  }
0x108: {  	[tilespmem:s17], [sflag:$0x1] =	stream.indirect_vreg.gather [hbm4b:s7+s3], $0x80, v3, vm0, $0xb8;
	[tilespmem:$0x1C100] =	vst v63  }
0x109: {  	_ =	swait.ge [sflag:s0], $0xE000  }
0x10a: {  	[sflag:s0] =	ssyncset.done $0x0  }
0x10b: {  	s2 =	simm.s32 $0x4;
	s9 =	rddreg [dreg:$0x5];
	[sflag:s0] =	ssyncadd.s32 $0xFFFF2000  }
0x10c: {  	[hbm4b:s9+s3] =	stream.linear.scatter [tilespmem:s18], [sflag:$0x4], $0xE000, $0x38;
	[tilespmem:$0x1C100] =	vst v63  }
0x10d: {  	_ =	swait.ge [sflag:s2], $0xE000  }
0x10e: {  	[sflag:s2] =	ssyncset.done $0x0  }
0x10f: {  	[sflag:s2] =	ssyncadd.s32 $0xFFFF2000  }
0x110: {  	v3 =	vld [tilespmem:$0xA8];
	_ =	sdelay $0x4  }
0x111: {  	v58 =	vshll.u32 v3, $0x3  }
0x112: {  	v3 =	vand.u32 $0x7, v3;
	v4 =	vand.u32 $0xFFFFFFC0, v58  }
0x113: {  	v3 =	vor.u32 v3, v4  }
0x114: {  	v4 =	vperm.xlane v3, v0;
	_ =	sdelay $0x1  }
0x115: {  	v4 =	vadd.s32 v1, v4;
	_ =	sdelay $0x4  }
0x116: {  	[tilespmem:s18], [sflag:$0x2] =	stream.indirect_vreg.gather [hbm4b:s1+s3], $0x80, v4, vm0, $0xb8;
	[tilespmem:$0x1C100] =	vst v63  }
0x117: {  	v3 =	vperm.xlane v3, v2  }
0x118: {  	[tilespmem:s19], [sflag:$0x2] =	stream.indirect_vreg.gather [hbm4b:s5+s3], $0x80, v4, vm0, $0xb8;
	[tilespmem:$0x1C100] =	vst v63  }
0x119: {  	v3 =	vadd.s32 v1, v3  }
0x11a: {  	[tilespmem:s20], [sflag:$0x2] =	stream.indirect_vreg.gather [hbm4b:s6+s3], $0x80, v4, vm0, $0xb8;
	[tilespmem:$0x1C100] =	vst v63  }
0x11b: {  	_ = 	snop  }
0x11c: {  	[tilespmem:s21], [sflag:$0x2] =	stream.indirect_vreg.gather [hbm4b:s7+s3], $0x80, v4, vm0, $0xb8;
	[tilespmem:$0x1C100] =	vst v63  }
0x11d: {  	_ = 	snop  }
0x11e: {  	[tilespmem:s22], [sflag:$0x2] =	stream.indirect_vreg.gather [hbm4b:s1+s3], $0x80, v3, vm0, $0xb8;
	[tilespmem:$0x1C100] =	vst v63  }
0x11f: {  	_ = 	snop  }
0x120: {  	[tilespmem:s23], [sflag:$0x2] =	stream.indirect_vreg.gather [hbm4b:s5+s3], $0x80, v3, vm0, $0xb8;
	[tilespmem:$0x1C100] =	vst v63  }
0x121: {  	_ = 	snop  }
0x122: {  	[tilespmem:s24], [sflag:$0x2] =	stream.indirect_vreg.gather [hbm4b:s6+s3], $0x80, v3, vm0, $0xb8;
	[tilespmem:$0x1C100] =	vst v63  }
0x123: {  	_ = 	snop  }
0x124: {  	[tilespmem:s25], [sflag:$0x2] =	stream.indirect_vreg.gather [hbm4b:s7+s3], $0x80, v3, vm0, $0xb8;
	[tilespmem:$0x1C100] =	vst v63  }
0x125: {  	v3 =	vld [tilespmem:$0xB8];
	_ =	sdelay $0x4  }
0x126: {  	v59 =	vshll.u32 v3, $0x3  }
0x127: {  	v3 =	vand.u32 $0x7, v3;
	v4 =	vand.u32 $0xFFFFFFC0, v59  }
0x128: {  	v3 =	vor.u32 v3, v4  }
0x129: {  	v4 =	vperm.xlane v3, v0;
	_ =	sdelay $0x1  }
0x12a: {  	v4 =	vadd.s32 v1, v4;
	_ =	sdelay $0x4  }
0x12b: {  	[tilespmem:s29], [sflag:$0x2] =	stream.indirect_vreg.gather [hbm4b:s1+s3], $0x80, v4, vm0, $0xb8;
	[tilespmem:$0x1C100] =	vst v63  }
0x12c: {  	s30 =	simm.s32 $0x12900;
	v3 =	vperm.xlane v3, v2  }
0x12d: {  	[tilespmem:s30], [sflag:$0x2] =	stream.indirect_vreg.gather [hbm4b:s5+s3], $0x80, v4, vm0, $0xb8;
	[tilespmem:$0x1C100] =	vst v63  }
0x12e: {  	v3 =	vadd.s32 v1, v3;
	s30 =	simm.s32 $0x13100  }
0x12f: {  	[tilespmem:s30], [sflag:$0x2] =	stream.indirect_vreg.gather [hbm4b:s6+s3], $0x80, v4, vm0, $0xb8;
	[tilespmem:$0x1C100] =	vst v63  }
0x130: {  	s30 =	simm.s32 $0x13900  }
0x131: {  	[tilespmem:s30], [sflag:$0x2] =	stream.indirect_vreg.gather [hbm4b:s7+s3], $0x80, v4, vm0, $0xb8;
	[tilespmem:$0x1C100] =	vst v63  }
0x132: {  	s30 =	simm.s32 $0x14100  }
0x133: {  	[tilespmem:s30], [sflag:$0x2] =	stream.indirect_vreg.gather [hbm4b:s1+s3], $0x80, v3, vm0, $0xb8;
	[tilespmem:$0x1C100] =	vst v63  }
0x134: {  	s30 =	simm.s32 $0x14900  }
0x135: {  	[tilespmem:s30], [sflag:$0x2] =	stream.indirect_vreg.gather [hbm4b:s5+s3], $0x80, v3, vm0, $0xb8;
	[tilespmem:$0x1C100] =	vst v63  }
0x136: {  	s30 =	simm.s32 $0x15100  }
0x137: {  	[tilespmem:s30], [sflag:$0x2] =	stream.indirect_vreg.gather [hbm4b:s6+s3], $0x80, v3, vm0, $0xb8;
	[tilespmem:$0x1C100] =	vst v63  }
0x138: {  	s30 =	simm.s32 $0x15900  }
0x139: {  	[tilespmem:s30], [sflag:$0x2] =	stream.indirect_vreg.gather [hbm4b:s7+s3], $0x80, v3, vm0, $0xb8;
	[tilespmem:$0x1C100] =	vst v63  }
0x13a: {  	v3 =	vld [tilespmem:$0xC8];
	_ =	sdelay $0x4  }
0x13b: {  	v60 =	vshll.u32 v3, $0x3  }
0x13c: {  	v3 =	vand.u32 $0x7, v3;
	v4 =	vand.u32 $0xFFFFFFC0, v60  }
0x13d: {  	v3 =	vor.u32 v3, v4  }
0x13e: {  	v4 =	vperm.xlane v3, v0;
	_ =	sdelay $0x1  }
0x13f: {  	v4 =	vadd.s32 v1, v4;
	_ =	sdelay $0x3  }
0x140: {  	s30 =	simm.s32 $0x16100  }
0x141: {  	[tilespmem:s30], [sflag:$0x2] =	stream.indirect_vreg.gather [hbm4b:s1+s3], $0x80, v4, vm0, $0xb8;
	[tilespmem:$0x1C100] =	vst v63  }
0x142: {  	v3 =	vperm.xlane v3, v2;
	s30 =	simm.s32 $0x16900  }
0x143: {  	[tilespmem:s30], [sflag:$0x2] =	stream.indirect_vreg.gather [hbm4b:s5+s3], $0x80, v4, vm0, $0xb8;
	[tilespmem:$0x1C100] =	vst v63  }
0x144: {  	v3 =	vadd.s32 v1, v3;
	s30 =	simm.s32 $0x17100  }
0x145: {  	[tilespmem:s30], [sflag:$0x2] =	stream.indirect_vreg.gather [hbm4b:s6+s3], $0x80, v4, vm0, $0xb8;
	[tilespmem:$0x1C100] =	vst v63  }
0x146: {  	s30 =	simm.s32 $0x17900  }
0x147: {  	[tilespmem:s30], [sflag:$0x2] =	stream.indirect_vreg.gather [hbm4b:s7+s3], $0x80, v4, vm0, $0xb8;
	[tilespmem:$0x1C100] =	vst v63  }
0x148: {  	s30 =	simm.s32 $0x18100  }
0x149: {  	[tilespmem:s30], [sflag:$0x2] =	stream.indirect_vreg.gather [hbm4b:s1+s3], $0x80, v3, vm0, $0xb8;
	[tilespmem:$0x1C100] =	vst v63  }
0x14a: {  	s30 =	simm.s32 $0x18900  }
0x14b: {  	[tilespmem:s30], [sflag:$0x2] =	stream.indirect_vreg.gather [hbm4b:s5+s3], $0x80, v3, vm0, $0xb8;
	[tilespmem:$0x1C100] =	vst v63  }
0x14c: {  	s30 =	simm.s32 $0x19100  }
0x14d: {  	[tilespmem:s30], [sflag:$0x2] =	stream.indirect_vreg.gather [hbm4b:s6+s3], $0x80, v3, vm0, $0xb8;
	[tilespmem:$0x1C100] =	vst v63  }
0x14e: {  	s30 =	simm.s32 $0x19900  }
0x14f: {  	[tilespmem:s30], [sflag:$0x2] =	stream.indirect_vreg.gather [hbm4b:s7+s3], $0x80, v3, vm0, $0xb8;
	[tilespmem:$0x1C100] =	vst v63  }
0x150: {  	v3 =	vld.msk [tilespmem:$0xD8], $0xff;
	_ =	sdelay $0x4  }
0x151: {  	v61 =	vshll.u32 v3, $0x3  }
0x152: {  	v3 =	vand.u32 $0x7, v3;
	v4 =	vand.u32 $0xFFFFFFC0, v61  }
0x153: {  	v3 =	vor.u32 v3, v4  }
0x154: {  	v3 =	vperm.xlane v3, v0;
	_ =	sdelay $0x1  }
0x155: {  	v3 =	vadd.s32 v1, v3;
	_ =	sdelay $0x3  }
0x156: {  	s30 =	simm.s32 $0x1A100  }
0x157: {  	[tilespmem:s30], [sflag:$0x2] =	stream.indirect_vreg.gather [hbm4b:s1+s3], $0x80, v3, vm0, $0xb8;
	[tilespmem:$0x1C100] =	vst v63  }
0x158: {  	s30 =	simm.s32 $0x1A900  }
0x159: {  	[tilespmem:s30], [sflag:$0x2] =	stream.indirect_vreg.gather [hbm4b:s5+s3], $0x80, v3, vm0, $0xb8;
	[tilespmem:$0x1C100] =	vst v63  }
0x15a: {  	s30 =	simm.s32 $0x1B100  }
0x15b: {  	[tilespmem:s30], [sflag:$0x2] =	stream.indirect_vreg.gather [hbm4b:s6+s3], $0x80, v3, vm0, $0xb8;
	[tilespmem:$0x1C100] =	vst v63  }
0x15c: {  	s30 =	simm.s32 $0x1B900  }
0x15d: {  	[tilespmem:s30], [sflag:$0x2] =	stream.indirect_vreg.gather [hbm4b:s7+s3], $0x80, v3, vm0, $0xb8;
	[tilespmem:$0x1C100] =	vst v63  }
0x15e: {  	_ =	swait.ge [sflag:s26], $0xE000  }
0x15f: {  	[sflag:s26] =	ssyncset.done $0x0  }
0x160: {  	s9 =	rddreg [dreg:$0x6];
	[sflag:s26] =	ssyncadd.s32 $0xFFFF2000  }
0x161: {  	[hbm4b:s9+s3] =	stream.linear.scatter [tilespmem:s4], [sflag:$0x3], $0xE000, $0x38;
	[tilespmem:$0x1C100] =	vst v63  }
0x162: {  	_ =	swait.ge [sflag:s28], $0xE000  }
0x163: {  	[sflag:s28] =	ssyncset.done $0x0  }
0x164: {  	[sflag:s28] =	ssyncadd.s32 $0xFFFF2000  }
0x165: {  	v3 =	vld [tilespmem:$0xE0];
	_ =	sdelay $0x4  }
0x166: {  	v62 =	vshll.u32 v3, $0x3  }
0x167: {  	v3 =	vand.u32 $0x7, v3;
	v4 =	vand.u32 $0xFFFFFFC0, v62  }
0x168: {  	v3 =	vor.u32 v3, v4  }
0x169: {  	v4 =	vperm.xlane v3, v0;
	_ =	sdelay $0x1  }
0x16a: {  	v4 =	vadd.s32 v1, v4;
	_ =	sdelay $0x4  }
0x16b: {  	[tilespmem:s4], [sflag:$0x1] =	stream.indirect_vreg.gather [hbm4b:s1+s3], $0x80, v4, vm0, $0xb8;
	[tilespmem:$0x1C100] =	vst v63  }
0x16c: {  	s30 =	simm.s32 $0x900;
	v3 =	vperm.xlane v3, v2  }
0x16d: {  	[tilespmem:s30], [sflag:$0x1] =	stream.indirect_vreg.gather [hbm4b:s5+s3], $0x80, v4, vm0, $0xb8;
	[tilespmem:$0x1C100] =	vst v63  }
0x16e: {  	v3 =	vadd.s32 v1, v3;
	s30 =	simm.s32 $0x1100  }
0x16f: {  	[tilespmem:s30], [sflag:$0x1] =	stream.indirect_vreg.gather [hbm4b:s6+s3], $0x80, v4, vm0, $0xb8;
	[tilespmem:$0x1C100] =	vst v63  }
0x170: {  	s30 =	simm.s32 $0x1900  }
0x171: {  	[tilespmem:s30], [sflag:$0x1] =	stream.indirect_vreg.gather [hbm4b:s7+s3], $0x80, v4, vm0, $0xb8;
	[tilespmem:$0x1C100] =	vst v63  }
0x172: {  	s30 =	simm.s32 $0x2100  }
0x173: {  	[tilespmem:s30], [sflag:$0x1] =	stream.indirect_vreg.gather [hbm4b:s1+s3], $0x80, v3, vm0, $0xb8;
	[tilespmem:$0x1C100] =	vst v63  }
0x174: {  	s30 =	simm.s32 $0x2900  }
0x175: {  	[tilespmem:s30], [sflag:$0x1] =	stream.indirect_vreg.gather [hbm4b:s5+s3], $0x80, v3, vm0, $0xb8;
	[tilespmem:$0x1C100] =	vst v63  }
0x176: {  	s30 =	simm.s32 $0x3100  }
0x177: {  	[tilespmem:s30], [sflag:$0x1] =	stream.indirect_vreg.gather [hbm4b:s6+s3], $0x80, v3, vm0, $0xb8;
	[tilespmem:$0x1C100] =	vst v63  }
0x178: {  	s30 =	simm.s32 $0x3900  }
0x179: {  	[tilespmem:s30], [sflag:$0x1] =	stream.indirect_vreg.gather [hbm4b:s7+s3], $0x80, v3, vm0, $0xb8;
	[tilespmem:$0x1C100] =	vst v63  }
0x17a: {  	v3 =	vld [tilespmem:$0xF0];
	_ =	sdelay $0x4  }
0x17b: {  	v63 =	vshll.u32 v3, $0x3  }
0x17c: {  	v3 =	vand.u32 $0x7, v3;
	v4 =	vand.u32 $0xFFFFFFC0, v63  }
0x17d: {  	v3 =	vor.u32 v3, v4  }
0x17e: {  	v4 =	vperm.xlane v3, v0;
	_ =	sdelay $0x1  }
0x17f: {  	v4 =	vadd.s32 v1, v4;
	_ =	sdelay $0x3  }
0x180: {  	s30 =	simm.s32 $0x4100  }
0x181: {  	[tilespmem:s30], [sflag:$0x1] =	stream.indirect_vreg.gather [hbm4b:s1+s3], $0x80, v4, vm0, $0xb8;
	[tilespmem:$0x1C100] =	vst v63  }
0x182: {  	v3 =	vperm.xlane v3, v2;
	s30 =	simm.s32 $0x4900  }
0x183: {  	[tilespmem:s30], [sflag:$0x1] =	stream.indirect_vreg.gather [hbm4b:s5+s3], $0x80, v4, vm0, $0xb8;
	[tilespmem:$0x1C100] =	vst v63  }
0x184: {  	v3 =	vadd.s32 v1, v3;
	s30 =	simm.s32 $0x5100  }
0x185: {  	[tilespmem:s30], [sflag:$0x1] =	stream.indirect_vreg.gather [hbm4b:s6+s3], $0x80, v4, vm0, $0xb8;
	[tilespmem:$0x1C100] =	vst v63  }
0x186: {  	s30 =	simm.s32 $0x5900  }
0x187: {  	[tilespmem:s30], [sflag:$0x1] =	stream.indirect_vreg.gather [hbm4b:s7+s3], $0x80, v4, vm0, $0xb8;
	[tilespmem:$0x1C100] =	vst v63  }
0x188: {  	s30 =	simm.s32 $0x6100  }
0x189: {  	[tilespmem:s30], [sflag:$0x1] =	stream.indirect_vreg.gather [hbm4b:s1+s3], $0x80, v3, vm0, $0xb8;
	[tilespmem:$0x1C100] =	vst v63  }
0x18a: {  	s30 =	simm.s32 $0x6900  }
0x18b: {  	[tilespmem:s30], [sflag:$0x1] =	stream.indirect_vreg.gather [hbm4b:s5+s3], $0x80, v3, vm0, $0xb8;
	[tilespmem:$0x1C100] =	vst v63  }
0x18c: {  	s30 =	simm.s32 $0x7100  }
0x18d: {  	[tilespmem:s30], [sflag:$0x1] =	stream.indirect_vreg.gather [hbm4b:s6+s3], $0x80, v3, vm0, $0xb8;
	[tilespmem:$0x1C100] =	vst v63  }
0x18e: {  	s30 =	simm.s32 $0x7900  }
0x18f: {  	[tilespmem:s30], [sflag:$0x1] =	stream.indirect_vreg.gather [hbm4b:s7+s3], $0x80, v3, vm0, $0xb8;
	[tilespmem:$0x1C100] =	vst v63  }
0x190: {  	_ =	swait.ge [sflag:s0], $0xE000  }
0x191: {  	[sflag:s0] =	ssyncset.done $0x0  }
0x192: {  	s9 =	rddreg [dreg:$0x7];
	[sflag:s0] =	ssyncadd.s32 $0xFFFF2000  }
0x193: {  	[hbm4b:s9+s3] =	stream.linear.scatter [tilespmem:s18], [sflag:$0x4], $0xE000, $0x38;
	[tilespmem:$0x1C100] =	vst v63  }
0x194: {  	_ =	swait.ge [sflag:s26], $0x8000  }
0x195: {  	[sflag:s26] =	ssyncset.done $0x0  }
0x196: {  	s9 =	rddreg [dreg:$0x8];
	[sflag:s26] =	ssyncadd.s32 $0xFFFF8000  }
0x197: {  	[hbm4b:s9+s3] =	stream.linear.scatter [tilespmem:s4], [sflag:$0x3], $0x8000, $0x38;
	[tilespmem:$0x1C100] =	vst v63  }
0x198: {  	p0 =	sne.s32 s8, $0x1;
	_ =	swait.ge [sflag:s28], $0x8000  }
.Ltmp0:
0x199: {  	[sflag:s28] =	ssyncset.done $0x0;
	(pc) =	sbr.rel @p0 .LBB2_1-.Ltmp0, $4  }
0x19a: {  	[sflag:s28] =	ssyncadd.s32 $0xFFFF8000  }
0x19b: {  	_ =	swait.ge [sflag:s2], $0xE000  }
0x19c: {  	[sflag:s2] =	ssyncset.done $0x0  }
0x19d: {  	s8 =	sadd.s32 $0xFFFFFFFF, s8;
	[sflag:s2] =	ssyncadd.s32 $0xFFFF2000  }
0x19e: {  	_ =	sfence.sel $0x180000  }
0x19f: {  	[bflag:$0x0] =	sbarrier.arrive $0xFFFF  }
0x1a0: {  	_ =	strace $0x90000047  }
0x1a1: {  	s0 =	stileid.u32;
	[bflag:$0x2] =	sbarrier.arrive $0xFFFF  }
0x1a2: {  	p0 =	sne.s32 s0, $0x0;
	s0 =	rddreg [dreg:$0x3]  }
0x1a3: {  	s0 =	sadd.s32 @!p0 $0x100000, s0  }
0x1a4: {  	[sflag:s0] =	ssyncadd.tile.s32 @!p0 $0x1;
	_ =	shalt  }
.Lfunc_end2:
_tile_overlayer_lowered:
.L_overlay_start_2:
0x1a5: {  	(tag) =	ssettag $0x2  }
0x1a6: {  	s0 =	rddreg [dreg:$0x0];
	s2 =	stileid.u32  }
0x1a7: {  	s1 =	rddreg [dreg:$0x1];
	p0 =	sne.s32 s2, $0x0  }
0x1a8: {  	s3 =	rddreg [dreg:$0x2];
	[bflag:$0x3] =	sbarrier.arrive $0xFFFF;
	s2 =	simm.s32 @!p0 $0x1C05  }
0x1a9: {  	[timem:s3], [sflag:s2] =	dma.local @!p0 [hbm:s0], s1  }
0x1aa: {  	s0 =	simm.s32 @!p0 $0x5  }
0x1ab: {  	_ =	swait.ge @!p0 [sflag:s0], s1  }
0x1ac: {  	s1 =	ssub.s32 @!p0 $0x0, s1;
	[sflag:s0] =	ssyncset.done @!p0 $0x0  }
0x1ad: {  	[sflag:s0] =	ssyncadd.s32 @!p0 s1  }
0x1ae: {  	[bflag:$0x3] =	sbarrier.arrive $0xFFFF  }
0x1af: {  	_ =	shalt  }

</sc_bundles>
